<compile_context>
chip_gen: v7x
topology: tpu7x:2x2x1
jax: 0.10.2.dev20260603
libtpu: 0.0.44.dev20260713+nightly
codegen_flags: <defaults>
</compile_context>

<pallas_src>
import functools

import jax
import jax.numpy as jnp
from jax import lax
from jax.experimental import pallas as pl
from jax.experimental.pallas import tpu as pltpu
from jax.experimental.pallas import tpu_sc as plsc

_SC_INFO = plsc.get_sparse_core_info()
NC = _SC_INFO.num_cores
NS = _SC_INFO.num_subcores
NW = NC * NS

DIM = 768
FF = 1536
E = 8
TOP_K = 2
T = 2048
A = T * TOP_K
TILE = 128
P = A + E * TILE
NT = P // TILE


def _router_body(x_ref, gw_ref, gb_ref, dest_ref, eid_ref, w01_ref):
    xf = x_ref[...]
    gw = gw_ref[...]
    logits = lax.dot_general(xf, gw, (((1,), (1,)), ((), ())),
                             preferred_element_type=jnp.float32)
    logits = logits + gb_ref[...]
    m = jnp.max(logits, axis=1, keepdims=True)
    p = jnp.exp(logits - m)
    probs = p / jnp.sum(p, axis=1, keepdims=True)

    lane = lax.broadcasted_iota(jnp.int32, (T, E), 1)
    m1 = jnp.max(probs, axis=1, keepdims=True)
    i1 = jnp.min(jnp.where(probs >= m1, lane, E), axis=1, keepdims=True)
    probs2 = jnp.where(lane == i1, -jnp.inf, probs)
    m2 = jnp.max(probs2, axis=1, keepdims=True)
    i2 = jnp.min(jnp.where(probs2 >= m2, lane, E), axis=1, keepdims=True)
    sw = m1 + m2 + 1e-6
    w01_ref[...] = jnp.concatenate([m1 / sw, m2 / sw], axis=1)

    e_col = jnp.concatenate([i1, i2], axis=0)
    lane_a = lax.broadcasted_iota(jnp.int32, (A, E), 1)
    oh = (e_col == lane_a).astype(jnp.int32)
    c = oh
    sh = 1
    while sh < A:
        c = c + jnp.concatenate(
            [jnp.zeros((sh, E), jnp.int32), c[:-sh, :]], axis=0)
        sh *= 2
    rank = jnp.sum(oh * c, axis=1, keepdims=True) - 1
    counts = c[A - 1:A, :]
    pad_counts = ((counts + TILE - 1) // TILE) * TILE
    tri = (lax.broadcasted_iota(jnp.int32, (E, E), 0) <
           lax.broadcasted_iota(jnp.int32, (E, E), 1)).astype(jnp.float32)
    base = lax.dot_general(pad_counts.astype(jnp.float32), tri,
                           (((1,), (0,)), ((), ())),
                           preferred_element_type=jnp.float32).astype(jnp.int32)
    dest_ref[...] = jnp.sum(oh * base, axis=1, keepdims=True) + rank
    ts = base // TILE
    te = ts + pad_counts // TILE
    jj = lax.broadcasted_iota(jnp.int32, (NT, E), 0)
    cond = (jj >= ts) & (jj < te)
    lane_t = lax.broadcasted_iota(jnp.int32, (NT, E), 1)
    eid_ref[...] = jnp.sum(jnp.where(cond, lane_t, 0), axis=1, keepdims=True)


def _router(xf, gate_w, gate_b):
    return pl.pallas_call(
        _router_body,
        out_shape=(
            jax.ShapeDtypeStruct((A, 1), jnp.int32),
            jax.ShapeDtypeStruct((NT, 1), jnp.int32),
            jax.ShapeDtypeStruct((T, 2), jnp.float32),
        ),
    )(xf, gate_w, gate_b.reshape(1, E))


def _ffn_body(eid_ref, xs_ref, w1_ref, b1_ref, w2_ref, b2_ref, y_ref):
    xb = xs_ref[...].astype(jnp.bfloat16)
    h = lax.dot_general(xb, w1_ref[0], (((1,), (1,)), ((), ())),
                        preferred_element_type=jnp.float32) + b1_ref[0]
    hh = h[:, :FF]
    g = h[:, FF:]
    act = hh * (0.5 * g * (1.0 + lax.erf(g * 0.7071067811865476)))
    y_ref[...] = lax.dot_general(act.astype(jnp.bfloat16), w2_ref[0],
                                 (((1,), (1,)), ((), ())),
                                 preferred_element_type=jnp.float32) + b2_ref[0]


def _ffn(xs, tile_eid, fc1_w, fc1_b, fc2_w, fc2_b):
    grid_spec = pltpu.PrefetchScalarGridSpec(
        num_scalar_prefetch=1,
        grid=(NT,),
        in_specs=[
            pl.BlockSpec((TILE, DIM), lambda j, eid: (j, 0)),
            pl.BlockSpec((1, 2 * FF, DIM), lambda j, eid: (eid[j], 0, 0)),
            pl.BlockSpec((1, 1, 2 * FF), lambda j, eid: (eid[j], 0, 0)),
            pl.BlockSpec((1, DIM, FF), lambda j, eid: (eid[j], 0, 0)),
            pl.BlockSpec((1, 1, DIM), lambda j, eid: (eid[j], 0, 0)),
        ],
        out_specs=pl.BlockSpec((TILE, DIM), lambda j, eid: (j, 0)),
    )
    return pl.pallas_call(
        _ffn_body,
        grid_spec=grid_spec,
        out_shape=jax.ShapeDtypeStruct((P, DIM), jnp.float32),
        compiler_params=pltpu.CompilerParams(
            dimension_semantics=("arbitrary",)),
    )(tile_eid, xs, fc1_w.astype(jnp.bfloat16), fc1_b.reshape(E, 1, 2 * FF),
      fc2_w.astype(jnp.bfloat16), fc2_b.reshape(E, 1, DIM))


def _combine_body(g0_ref, g1_ref, w01_ref, out_ref):
    w0 = w01_ref[:, 0:1]
    w1 = w01_ref[:, 1:2]
    out_ref[...] = w0 * g0_ref[...] + w1 * g1_ref[...]


def _combine(g0, g1, w01):
    return pl.pallas_call(
        _combine_body,
        out_shape=jax.ShapeDtypeStruct((T, DIM), jnp.float32),
    )(g0, g1, w01)


def _dispatch(xf, dest):
    bpw = A // NW
    mesh = plsc.VectorSubcoreMesh(core_axis_name="c", subcore_axis_name="s")

    @functools.partial(
        pl.kernel, mesh=mesh,
        out_type=jax.ShapeDtypeStruct((P, DIM), jnp.float32),
        scratch_types=[
            pltpu.VMEM((bpw,), jnp.int32),
            pltpu.VMEM((bpw, DIM), jnp.float32),
            pltpu.SemaphoreType.DMA,
        ],
    )
    def k(x_hbm, dest_hbm, xs_hbm, idx_v, rows_v, sem):
        wid = lax.axis_index("s") * NC + lax.axis_index("c")
        base = wid * bpw
        src = lax.rem(base, T)
        pltpu.sync_copy(dest_hbm.at[pl.ds(base, bpw)], idx_v)
        pltpu.sync_copy(x_hbm.at[pl.ds(src, bpw)], rows_v)
        pltpu.async_copy(rows_v, xs_hbm.at[idx_v], sem).wait()

    return k(xf, dest)


def _gather_pair(ys, d0, d1):
    bpw = T // NW
    mesh = plsc.VectorSubcoreMesh(core_axis_name="c", subcore_axis_name="s")

    @functools.partial(
        pl.kernel, mesh=mesh,
        out_type=(
            jax.ShapeDtypeStruct((T, DIM), jnp.float32),
            jax.ShapeDtypeStruct((T, DIM), jnp.float32),
        ),
        scratch_types=[
            pltpu.VMEM((bpw,), jnp.int32),
            pltpu.VMEM((bpw,), jnp.int32),
            pltpu.VMEM((bpw, DIM), jnp.float32),
            pltpu.VMEM((bpw, DIM), jnp.float32),
            pltpu.SemaphoreType.DMA,
        ],
    )
    def k(ys_hbm, d0_hbm, d1_hbm, g0_hbm, g1_hbm, i0_v, i1_v, r0_v, r1_v, sem):
        wid = lax.axis_index("s") * NC + lax.axis_index("c")
        base = wid * bpw
        pltpu.sync_copy(d0_hbm.at[pl.ds(base, bpw)], i0_v)
        pltpu.sync_copy(d1_hbm.at[pl.ds(base, bpw)], i1_v)
        c0 = pltpu.async_copy(ys_hbm.at[i0_v], r0_v, sem)
        c1 = pltpu.async_copy(ys_hbm.at[i1_v], r1_v, sem)
        c0.wait()
        c1.wait()
        pltpu.sync_copy(r0_v, g0_hbm.at[pl.ds(base, bpw)])
        pltpu.sync_copy(r1_v, g1_hbm.at[pl.ds(base, bpw)])

    return k(ys, d0, d1)


def kernel(x, gate_w, gate_b, fc1_w, fc1_b, fc2_w, fc2_b):
    xf = x.reshape(T, DIM)
    dest, tile_eid, w01 = _router(xf, gate_w, gate_b)
    dest_f = dest.reshape(A)
    xs = _dispatch(xf, dest_f)
    ys = _ffn(xs, tile_eid.reshape(NT), fc1_w, fc1_b, fc2_w, fc2_b)
    g0, g1 = _gather_pair(ys, dest_f[:T], dest_f[T:])
    out = _combine(g0, g1, w01)
    return out.reshape(1, T, DIM)

# --- scband reference (transcript-rebuilt; emitter-appended) ---
"""Pipeline reference for scband-mo-elayer-27341761806561 (READ-ONLY COPY).

The authoritative reference and input builder live on the scoring server;
editing this copy changes nothing except your own understanding.
"""

import jax, jax.numpy as jnp
import numpy as np

DIM = 768
FF = 1536
E = 8
TOP_K = 2

def setup_inputs(seed: int = 0) -> dict:
    key = jax.random.key(seed)
    ks = jax.random.split(key, 6)
    x = jax.random.normal(ks[0], (1, 2048, DIM), dtype=jnp.float32)
    gate_w = jax.random.normal(ks[1], (E, DIM), dtype=jnp.float32) * 0.02
    gate_b = jnp.zeros((E,), dtype=jnp.float32)
    fc1_w = jax.random.normal(ks[2], (E, 2 * FF, DIM), dtype=jnp.float32) * 0.02
    fc1_b = jnp.zeros((E, 2 * FF), dtype=jnp.float32)
    fc2_w = jax.random.normal(ks[3], (E, DIM, FF), dtype=jnp.float32) * 0.02
    fc2_b = jnp.zeros((E, DIM), dtype=jnp.float32)
    return {"x": x, "gate_w": gate_w, "gate_b": gate_b,
            "fc1_w": fc1_w, "fc1_b": fc1_b, "fc2_w": fc2_w, "fc2_b": fc2_b}

def reference(x, gate_w, gate_b, fc1_w, fc1_b, fc2_w, fc2_b):
    B, S, D = x.shape
    xf = x.reshape(-1, D)
    T = xf.shape[0]
    # router
    gate_logits = xf @ gate_w.T + gate_b
    gate_probs = jax.nn.softmax(gate_logits, axis=-1)
    top_vals, top_idx = jax.lax.top_k(gate_probs, TOP_K)
    top_w = top_vals / (jnp.sum(top_vals, axis=-1, keepdims=True) + 1e-6)
    # dense routing weight matrix [T, E]: normalized top-k weight if selected, else 0.
    # Mathematically identical to the torch per-expert gather/index_add loop.
    dense_w = jnp.zeros((T, E), dtype=xf.dtype).at[jnp.arange(T)[:, None], top_idx].set(top_w)
    # experts (computed densely; zero routing weight kills non-selected contributions)
    hidden = jnp.einsum('td,ehd->teh', xf, fc1_w) + fc1_b[None, :, :]
    h, g = jnp.split(hidden, 2, axis=-1)
    act = h * jax.nn.gelu(g, approximate=False)
    expert_out = jnp.einsum('tef,edf->ted', act, fc2_w) + fc2_b[None, :, :]
    y = jnp.einsum('te,ted->td', dense_w, expert_out)
    return y.reshape(B, S, D)

if __name__ == "__main__":
    import jax
    _d = setup_inputs()
    print(jax.jit(kernel)(*tuple(_d.values())))

</pallas_src>

<mosaic_0001>
#map = affine_map<(d0, d1) -> (0, 0)>
#map1 = affine_map<(d0, d1) -> (0)>
module attributes {stable_mosaic.version = 14 : i64} {
  func.func @k(%arg0: i32, %arg1: i32, %arg2: memref<5120x768xf32, #tpu.memory_space<hbm>>, %arg3: memref<2048xi32, #tpu.memory_space<hbm>>, %arg4: memref<2048xi32, #tpu.memory_space<hbm>>, %arg5: memref<2048x768xf32, #tpu.memory_space<hbm>>, %arg6: memref<2048x768xf32, #tpu.memory_space<hbm>>, %arg7: memref<64xi32, #tpu.memory_space<vmem>>, %arg8: memref<64xi32, #tpu.memory_space<vmem>>, %arg9: memref<64x768xf32, #tpu.memory_space<vmem>>, %arg10: memref<64x768xf32, #tpu.memory_space<vmem>>, %arg11: memref<!tpu.dma_semaphore, #tpu.memory_space<semaphore_mem>>) attributes {dimension_semantics = [#tpu.dimension_semantics<core_parallel>, #tpu.dimension_semantics<subcore_parallel>], iteration_bounds = array<i64: 2, 16>, scalar_prefetch = 0 : i64, scratch_operands = 5 : i64, tpu.core_type = #tpu.core_type<sc_vector_subcore>, window_params = [{transform_indices = #map}, {transform_indices = #map1}, {transform_indices = #map1}, {transform_indices = #map}, {transform_indices = #map}]} {
    %mul3A = arith.constant 2 : i32
    %mul3A_0 = arith.muli %arg1, %mul3A : i32
    %add3A = arith.addi %mul3A_0, %arg0 : i32
    %mul3A_1 = arith.constant 64 : i32
    %mul3A_2 = arith.muli %add3A, %mul3A_1 : i32
    "tpu.region"() ({
      %run_scoped3A = tpu.sem_alloc : memref<!tpu.dma_semaphore, #tpu.memory_space<semaphore_mem>>
      %dma_start3A_13 = tpu.memref_slice %arg3[%mul3A_2] : memref<2048xi32, #tpu.memory_space<hbm>> -> memref<64xi32, #tpu.memory_space<hbm>>
      %dma_start3A_14 = tpu.memref_slice %arg3[%mul3A_2] : memref<2048xi32, #tpu.memory_space<hbm>> -> memref<64xi32, #tpu.memory_space<hbm>>
      tpu.enqueue_dma source(%dma_start3A_14 : memref<64xi32, #tpu.memory_space<hbm>>) target(%arg7 : memref<64xi32, #tpu.memory_space<vmem>>) target_semaphore(%run_scoped3A : memref<!tpu.dma_semaphore, #tpu.memory_space<semaphore_mem>>)
      %dma_wait3A_15 = tpu.memref_slice %arg3[%mul3A_2] : memref<2048xi32, #tpu.memory_space<hbm>> -> memref<64xi32, #tpu.memory_space<hbm>>
      %dma_wait3A_16 = tpu.memref_slice %arg3[%mul3A_2] : memref<2048xi32, #tpu.memory_space<hbm>> -> memref<64xi32, #tpu.memory_space<hbm>>
      tpu.wait_dma2 semaphore(%run_scoped3A : memref<!tpu.dma_semaphore, #tpu.memory_space<semaphore_mem>>) src(%dma_wait3A_16 : memref<64xi32, #tpu.memory_space<hbm>>) dst(%arg7 : memref<64xi32, #tpu.memory_space<vmem>>)
      tpu.yield
    }) : () -> ()
    "tpu.region"() ({
      %run_scoped3A = tpu.sem_alloc : memref<!tpu.dma_semaphore, #tpu.memory_space<semaphore_mem>>
      %dma_start3A_13 = tpu.memref_slice %arg4[%mul3A_2] : memref<2048xi32, #tpu.memory_space<hbm>> -> memref<64xi32, #tpu.memory_space<hbm>>
      %dma_start3A_14 = tpu.memref_slice %arg4[%mul3A_2] : memref<2048xi32, #tpu.memory_space<hbm>> -> memref<64xi32, #tpu.memory_space<hbm>>
      tpu.enqueue_dma source(%dma_start3A_14 : memref<64xi32, #tpu.memory_space<hbm>>) target(%arg8 : memref<64xi32, #tpu.memory_space<vmem>>) target_semaphore(%run_scoped3A : memref<!tpu.dma_semaphore, #tpu.memory_space<semaphore_mem>>)
      %dma_wait3A_15 = tpu.memref_slice %arg4[%mul3A_2] : memref<2048xi32, #tpu.memory_space<hbm>> -> memref<64xi32, #tpu.memory_space<hbm>>
      %dma_wait3A_16 = tpu.memref_slice %arg4[%mul3A_2] : memref<2048xi32, #tpu.memory_space<hbm>> -> memref<64xi32, #tpu.memory_space<hbm>>
      tpu.wait_dma2 semaphore(%run_scoped3A : memref<!tpu.dma_semaphore, #tpu.memory_space<semaphore_mem>>) src(%dma_wait3A_16 : memref<64xi32, #tpu.memory_space<hbm>>) dst(%arg8 : memref<64xi32, #tpu.memory_space<vmem>>)
      tpu.yield
    }) : () -> ()
    %dma_start3A = arith.constant 0 : i32
    %dma_start3A_3 = arith.constant 0 : i32
    %dma_start3A_4 = tpu.memref_slice %arg2[%dma_start3A, %dma_start3A_3] : memref<5120x768xf32, #tpu.memory_space<hbm>> -> memref<5120x768xf32, #tpu.memory_space<hbm>>
    tpu.enqueue_indirect_dma source(%dma_start3A_4 : memref<5120x768xf32, #tpu.memory_space<hbm>>) target(%arg9 : memref<64x768xf32, #tpu.memory_space<vmem>>) offsets(%arg7 : memref<64xi32, #tpu.memory_space<vmem>>) semaphore(%arg11 : memref<!tpu.dma_semaphore, #tpu.memory_space<semaphore_mem>>)
    %dma_start3A_5 = arith.constant 0 : i32
    %dma_start3A_6 = arith.constant 0 : i32
    %dma_start3A_7 = tpu.memref_slice %arg2[%dma_start3A_5, %dma_start3A_6] : memref<5120x768xf32, #tpu.memory_space<hbm>> -> memref<5120x768xf32, #tpu.memory_space<hbm>>
    tpu.enqueue_indirect_dma source(%dma_start3A_7 : memref<5120x768xf32, #tpu.memory_space<hbm>>) target(%arg10 : memref<64x768xf32, #tpu.memory_space<vmem>>) offsets(%arg8 : memref<64xi32, #tpu.memory_space<vmem>>) semaphore(%arg11 : memref<!tpu.dma_semaphore, #tpu.memory_space<semaphore_mem>>)
    %dma_wait3A = arith.constant 0 : i32
    %dma_wait3A_8 = arith.constant 0 : i32
    %dma_wait3A_9 = tpu.memref_slice %arg2[%dma_wait3A, %dma_wait3A_8] : memref<5120x768xf32, #tpu.memory_space<hbm>> -> memref<5120x768xf32, #tpu.memory_space<hbm>>
    tpu.wait_indirect_dma semaphore(%arg11 : memref<!tpu.dma_semaphore, #tpu.memory_space<semaphore_mem>>) src(%dma_wait3A_9 : memref<5120x768xf32, #tpu.memory_space<hbm>>) dst(%arg9 : memref<64x768xf32, #tpu.memory_space<vmem>>)
    %dma_wait3A_10 = arith.constant 0 : i32
    %dma_wait3A_11 = arith.constant 0 : i32
    %dma_wait3A_12 = tpu.memref_slice %arg2[%dma_wait3A_10, %dma_wait3A_11] : memref<5120x768xf32, #tpu.memory_space<hbm>> -> memref<5120x768xf32, #tpu.memory_space<hbm>>
    tpu.wait_indirect_dma semaphore(%arg11 : memref<!tpu.dma_semaphore, #tpu.memory_space<semaphore_mem>>) src(%dma_wait3A_12 : memref<5120x768xf32, #tpu.memory_space<hbm>>) dst(%arg10 : memref<64x768xf32, #tpu.memory_space<vmem>>)
    "tpu.region"() ({
      %run_scoped3A = tpu.sem_alloc : memref<!tpu.dma_semaphore, #tpu.memory_space<semaphore_mem>>
      %dma_start3A_13 = arith.constant 0 : i32
      %dma_start3A_14 = tpu.memref_slice %arg5[%mul3A_2, %dma_start3A_13] : memref<2048x768xf32, #tpu.memory_space<hbm>> -> memref<64x768xf32, #tpu.memory_space<hbm>>
      %dma_start3A_15 = arith.constant 0 : i32
      %dma_start3A_16 = tpu.memref_slice %arg5[%mul3A_2, %dma_start3A_15] : memref<2048x768xf32, #tpu.memory_space<hbm>> -> memref<64x768xf32, #tpu.memory_space<hbm>>
      tpu.enqueue_dma source(%arg9 : memref<64x768xf32, #tpu.memory_space<vmem>>) target(%dma_start3A_16 : memref<64x768xf32, #tpu.memory_space<hbm>>) target_semaphore(%run_scoped3A : memref<!tpu.dma_semaphore, #tpu.memory_space<semaphore_mem>>)
      %dma_wait3A_17 = arith.constant 0 : i32
      %dma_wait3A_18 = tpu.memref_slice %arg5[%mul3A_2, %dma_wait3A_17] : memref<2048x768xf32, #tpu.memory_space<hbm>> -> memref<64x768xf32, #tpu.memory_space<hbm>>
      %dma_wait3A_19 = arith.constant 0 : i32
      %dma_wait3A_20 = tpu.memref_slice %arg5[%mul3A_2, %dma_wait3A_19] : memref<2048x768xf32, #tpu.memory_space<hbm>> -> memref<64x768xf32, #tpu.memory_space<hbm>>
      tpu.wait_dma2 semaphore(%run_scoped3A : memref<!tpu.dma_semaphore, #tpu.memory_space<semaphore_mem>>) src(%arg9 : memref<64x768xf32, #tpu.memory_space<vmem>>) dst(%dma_wait3A_20 : memref<64x768xf32, #tpu.memory_space<hbm>>)
      tpu.yield
    }) : () -> ()
    "tpu.region"() ({
      %run_scoped3A = tpu.sem_alloc : memref<!tpu.dma_semaphore, #tpu.memory_space<semaphore_mem>>
      %dma_start3A_13 = arith.constant 0 : i32
      %dma_start3A_14 = tpu.memref_slice %arg6[%mul3A_2, %dma_start3A_13] : memref<2048x768xf32, #tpu.memory_space<hbm>> -> memref<64x768xf32, #tpu.memory_space<hbm>>
      %dma_start3A_15 = arith.constant 0 : i32
      %dma_start3A_16 = tpu.memref_slice %arg6[%mul3A_2, %dma_start3A_15] : memref<2048x768xf32, #tpu.memory_space<hbm>> -> memref<64x768xf32, #tpu.memory_space<hbm>>
      tpu.enqueue_dma source(%arg10 : memref<64x768xf32, #tpu.memory_space<vmem>>) target(%dma_start3A_16 : memref<64x768xf32, #tpu.memory_space<hbm>>) target_semaphore(%run_scoped3A : memref<!tpu.dma_semaphore, #tpu.memory_space<semaphore_mem>>)
      %dma_wait3A_17 = arith.constant 0 : i32
      %dma_wait3A_18 = tpu.memref_slice %arg6[%mul3A_2, %dma_wait3A_17] : memref<2048x768xf32, #tpu.memory_space<hbm>> -> memref<64x768xf32, #tpu.memory_space<hbm>>
      %dma_wait3A_19 = arith.constant 0 : i32
      %dma_wait3A_20 = tpu.memref_slice %arg6[%mul3A_2, %dma_wait3A_19] : memref<2048x768xf32, #tpu.memory_space<hbm>> -> memref<64x768xf32, #tpu.memory_space<hbm>>
      tpu.wait_dma2 semaphore(%run_scoped3A : memref<!tpu.dma_semaphore, #tpu.memory_space<semaphore_mem>>) src(%arg10 : memref<64x768xf32, #tpu.memory_space<vmem>>) dst(%dma_wait3A_20 : memref<64x768xf32, #tpu.memory_space<hbm>>)
      tpu.yield
    }) : () -> ()
    return
  }
}

#map = affine_map<(d0, d1) -> (0, 0)>
#map1 = affine_map<(d0, d1) -> (0)>
module attributes {stable_mosaic.version = 14 : i64} {
  func.func @k(%arg0: i32, %arg1: i32, %arg2: memref<2048x768xf32, #tpu.memory_space<hbm>>, %arg3: memref<4096xi32, #tpu.memory_space<hbm>>, %arg4: memref<5120x768xf32, #tpu.memory_space<hbm>>, %arg5: memref<128xi32, #tpu.memory_space<vmem>>, %arg6: memref<128x768xf32, #tpu.memory_space<vmem>>, %arg7: memref<!tpu.dma_semaphore, #tpu.memory_space<semaphore_mem>>) attributes {dimension_semantics = [#tpu.dimension_semantics<core_parallel>, #tpu.dimension_semantics<subcore_parallel>], iteration_bounds = array<i64: 2, 16>, scalar_prefetch = 0 : i64, scratch_operands = 3 : i64, tpu.core_type = #tpu.core_type<sc_vector_subcore>, window_params = [{transform_indices = #map}, {transform_indices = #map1}, {transform_indices = #map}]} {
    %mul3A = arith.constant 2 : i32
    %mul3A_0 = arith.muli %arg1, %mul3A : i32
    %add3A = arith.addi %mul3A_0, %arg0 : i32
    %mul3A_1 = arith.constant 128 : i32
    %mul3A_2 = arith.muli %add3A, %mul3A_1 : i32
    %rem3A = arith.constant 2048 : i32
    %rem3A_3 = arith.remsi %mul3A_2, %rem3A : i32
    "tpu.region"() ({
      %run_scoped3A = tpu.sem_alloc : memref<!tpu.dma_semaphore, #tpu.memory_space<semaphore_mem>>
      %dma_start3A_8 = tpu.memref_slice %arg3[%mul3A_2] : memref<4096xi32, #tpu.memory_space<hbm>> -> memref<128xi32, #tpu.memory_space<hbm>>
      %dma_start3A_9 = tpu.memref_slice %arg3[%mul3A_2] : memref<4096xi32, #tpu.memory_space<hbm>> -> memref<128xi32, #tpu.memory_space<hbm>>
      tpu.enqueue_dma source(%dma_start3A_9 : memref<128xi32, #tpu.memory_space<hbm>>) target(%arg5 : memref<128xi32, #tpu.memory_space<vmem>>) target_semaphore(%run_scoped3A : memref<!tpu.dma_semaphore, #tpu.memory_space<semaphore_mem>>)
      %dma_wait3A_10 = tpu.memref_slice %arg3[%mul3A_2] : memref<4096xi32, #tpu.memory_space<hbm>> -> memref<128xi32, #tpu.memory_space<hbm>>
      %dma_wait3A_11 = tpu.memref_slice %arg3[%mul3A_2] : memref<4096xi32, #tpu.memory_space<hbm>> -> memref<128xi32, #tpu.memory_space<hbm>>
      tpu.wait_dma2 semaphore(%run_scoped3A : memref<!tpu.dma_semaphore, #tpu.memory_space<semaphore_mem>>) src(%dma_wait3A_11 : memref<128xi32, #tpu.memory_space<hbm>>) dst(%arg5 : memref<128xi32, #tpu.memory_space<vmem>>)
      tpu.yield
    }) : () -> ()
    "tpu.region"() ({
      %run_scoped3A = tpu.sem_alloc : memref<!tpu.dma_semaphore, #tpu.memory_space<semaphore_mem>>
      %dma_start3A_8 = arith.constant 0 : i32
      %dma_start3A_9 = tpu.memref_slice %arg2[%rem3A_3, %dma_start3A_8] : memref<2048x768xf32, #tpu.memory_space<hbm>> -> memref<128x768xf32, #tpu.memory_space<hbm>>
      %dma_start3A_10 = arith.constant 0 : i32
      %dma_start3A_11 = tpu.memref_slice %arg2[%rem3A_3, %dma_start3A_10] : memref<2048x768xf32, #tpu.memory_space<hbm>> -> memref<128x768xf32, #tpu.memory_space<hbm>>
      tpu.enqueue_dma source(%dma_start3A_11 : memref<128x768xf32, #tpu.memory_space<hbm>>) target(%arg6 : memref<128x768xf32, #tpu.memory_space<vmem>>) target_semaphore(%run_scoped3A : memref<!tpu.dma_semaphore, #tpu.memory_space<semaphore_mem>>)
      %dma_wait3A_12 = arith.constant 0 : i32
      %dma_wait3A_13 = tpu.memref_slice %arg2[%rem3A_3, %dma_wait3A_12] : memref<2048x768xf32, #tpu.memory_space<hbm>> -> memref<128x768xf32, #tpu.memory_space<hbm>>
      %dma_wait3A_14 = arith.constant 0 : i32
      %dma_wait3A_15 = tpu.memref_slice %arg2[%rem3A_3, %dma_wait3A_14] : memref<2048x768xf32, #tpu.memory_space<hbm>> -> memref<128x768xf32, #tpu.memory_space<hbm>>
      tpu.wait_dma2 semaphore(%run_scoped3A : memref<!tpu.dma_semaphore, #tpu.memory_space<semaphore_mem>>) src(%dma_wait3A_15 : memref<128x768xf32, #tpu.memory_space<hbm>>) dst(%arg6 : memref<128x768xf32, #tpu.memory_space<vmem>>)
      tpu.yield
    }) : () -> ()
    %dma_start3A = arith.constant 0 : i32
    %dma_start3A_4 = arith.constant 0 : i32
    %dma_start3A_5 = tpu.memref_slice %arg4[%dma_start3A, %dma_start3A_4] : memref<5120x768xf32, #tpu.memory_space<hbm>> -> memref<5120x768xf32, #tpu.memory_space<hbm>>
    tpu.enqueue_indirect_dma source(%arg6 : memref<128x768xf32, #tpu.memory_space<vmem>>) target(%dma_start3A_5 : memref<5120x768xf32, #tpu.memory_space<hbm>>) offsets(%arg5 : memref<128xi32, #tpu.memory_space<vmem>>) semaphore(%arg7 : memref<!tpu.dma_semaphore, #tpu.memory_space<semaphore_mem>>)
    %dma_wait3A = arith.constant 0 : i32
    %dma_wait3A_6 = arith.constant 0 : i32
    %dma_wait3A_7 = tpu.memref_slice %arg4[%dma_wait3A, %dma_wait3A_6] : memref<5120x768xf32, #tpu.memory_space<hbm>> -> memref<5120x768xf32, #tpu.memory_space<hbm>>
    tpu.wait_indirect_dma semaphore(%arg7 : memref<!tpu.dma_semaphore, #tpu.memory_space<semaphore_mem>>) src(%arg6 : memref<128x768xf32, #tpu.memory_space<vmem>>) dst(%dma_wait3A_7 : memref<5120x768xf32, #tpu.memory_space<hbm>>)
    return
  }
}

module attributes {stable_mosaic.version = 14 : i64} {
  func.func @_router_body(%arg0: memref<2048x768xf32, #tpu.memory_space<vmem>>, %arg1: memref<8x768xf32, #tpu.memory_space<vmem>>, %arg2: memref<1x8xf32, #tpu.memory_space<vmem>>, %arg3: memref<4096x1xi32, #tpu.memory_space<vmem>>, %arg4: memref<40x1xi32, #tpu.memory_space<vmem>>, %arg5: memref<2048x2xf32, #tpu.memory_space<vmem>>) attributes {dimension_semantics = [], scalar_prefetch = 0 : i64, scratch_operands = 0 : i64, tpu.core_type = #tpu.core_type<tc>} {
    %get3A = arith.constant 0 : index
    %get3A_0 = arith.constant 0 : index
    %get3A_1 = vector.load %arg0[%get3A, %get3A_0] : memref<2048x768xf32, #tpu.memory_space<vmem>>, vector<2048x768xf32>
    %get3A_2 = arith.constant 0 : index
    %get3A_3 = arith.constant 0 : index
    %get3A_4 = vector.load %arg1[%get3A_2, %get3A_3] : memref<8x768xf32, #tpu.memory_space<vmem>>, vector<8x768xf32>
    %dot_general3A = arith.constant dense<0.000000e+00> : vector<2048x8xf32>
    %dot_general3A_5 = tpu.matmul %get3A_1, %get3A_4, %dot_general3A {dimension_numbers = #tpu.dot_dimension_numbers<[1], [1], [0], [0], [0, 0, 1, 0], [], []>, transpose_lhs_hint = false} : vector<2048x768xf32>, vector<8x768xf32>, vector<2048x8xf32> -> vector<2048x8xf32>
    %get3A_6 = arith.constant 0 : index
    %get3A_7 = arith.constant 0 : index
    %get3A_8 = vector.load %arg2[%get3A_6, %get3A_7] : memref<1x8xf32, #tpu.memory_space<vmem>>, vector<1x8xf32>
    %add3A = vector.broadcast %get3A_8 : vector<1x8xf32> to vector<2048x8xf32>
    %add3A_9 = arith.addf %dot_general3A_5, %add3A : vector<2048x8xf32>
    %reduce_max3A = arith.constant dense<0xFF800000> : vector<2048xf32>
    %reduce_max3A_10 = vector.multi_reduction <maximumf>, %add3A_9, %reduce_max3A [1] : vector<2048x8xf32> to vector<2048xf32>
    %broadcast_in_dim3A = vector.shape_cast %reduce_max3A_10 : vector<2048xf32> to vector<2048x1xf32>
    %sub3A = vector.broadcast %broadcast_in_dim3A : vector<2048x1xf32> to vector<2048x8xf32>
    %sub3A_11 = arith.subf %add3A_9, %sub3A : vector<2048x8xf32>
    %exp3A = math.exp %sub3A_11 : vector<2048x8xf32>
    %reduce_sum3A = arith.constant dense<0.000000e+00> : vector<2048xf32>
    %reduce_sum3A_12 = vector.multi_reduction <add>, %exp3A, %reduce_sum3A [1] : vector<2048x8xf32> to vector<2048xf32>
    %broadcast_in_dim3A_13 = vector.shape_cast %reduce_sum3A_12 : vector<2048xf32> to vector<2048x1xf32>
    %div3A = vector.broadcast %broadcast_in_dim3A_13 : vector<2048x1xf32> to vector<2048x8xf32>
    %div3A_14 = arith.divf %exp3A, %div3A : vector<2048x8xf32>
    %iota3A = tpu.iota {dimensions = array<i32: 1>} : vector<2048x8xi32>
    %reduce_max3A_15 = arith.constant dense<0xFF800000> : vector<2048xf32>
    %reduce_max3A_16 = vector.multi_reduction <maximumf>, %div3A_14, %reduce_max3A_15 [1] : vector<2048x8xf32> to vector<2048xf32>
    %broadcast_in_dim3A_17 = vector.shape_cast %reduce_max3A_16 : vector<2048xf32> to vector<2048x1xf32>
    %ge3A = vector.broadcast %broadcast_in_dim3A_17 : vector<2048x1xf32> to vector<2048x8xf32>
    %ge3A_18 = arith.cmpf oge, %div3A_14, %ge3A : vector<2048x8xf32>
    %jit3A = arith.constant 8 : i32
    %broadcast_in_dim3A_19 = vector.broadcast %jit3A : i32 to vector<2048x8xi32>
    %select_n3A = arith.select %ge3A_18, %iota3A, %broadcast_in_dim3A_19 : vector<2048x8xi1>, vector<2048x8xi32>
    %reduce_min3A = arith.constant dense<2147483647> : vector<2048xi32>
    %reduce_min3A_20 = vector.multi_reduction <minsi>, %select_n3A, %reduce_min3A [1] : vector<2048x8xi32> to vector<2048xi32>
    %broadcast_in_dim3A_21 = vector.shape_cast %reduce_min3A_20 : vector<2048xi32> to vector<2048x1xi32>
    %eq3A = vector.broadcast %broadcast_in_dim3A_21 : vector<2048x1xi32> to vector<2048x8xi32>
    %eq3A_22 = arith.cmpi eq, %iota3A, %eq3A : vector<2048x8xi32>
    %jit3A_23 = arith.constant 0xFF800000 : f32
    %broadcast_in_dim3A_24 = vector.broadcast %jit3A_23 : f32 to vector<2048x8xf32>
    %select_n3A_25 = arith.select %eq3A_22, %broadcast_in_dim3A_24, %div3A_14 : vector<2048x8xi1>, vector<2048x8xf32>
    %reduce_max3A_26 = arith.constant dense<0xFF800000> : vector<2048xf32>
    %reduce_max3A_27 = vector.multi_reduction <maximumf>, %select_n3A_25, %reduce_max3A_26 [1] : vector<2048x8xf32> to vector<2048xf32>
    %broadcast_in_dim3A_28 = vector.shape_cast %reduce_max3A_27 : vector<2048xf32> to vector<2048x1xf32>
    %ge3A_29 = vector.broadcast %broadcast_in_dim3A_28 : vector<2048x1xf32> to vector<2048x8xf32>
    %ge3A_30 = arith.cmpf oge, %select_n3A_25, %ge3A_29 : vector<2048x8xf32>
    %jit3A_31 = arith.constant 8 : i32
    %broadcast_in_dim3A_32 = vector.broadcast %jit3A_31 : i32 to vector<2048x8xi32>
    %select_n3A_33 = arith.select %ge3A_30, %iota3A, %broadcast_in_dim3A_32 : vector<2048x8xi1>, vector<2048x8xi32>
    %reduce_min3A_34 = arith.constant dense<2147483647> : vector<2048xi32>
    %reduce_min3A_35 = vector.multi_reduction <minsi>, %select_n3A_33, %reduce_min3A_34 [1] : vector<2048x8xi32> to vector<2048xi32>
    %broadcast_in_dim3A_36 = vector.shape_cast %reduce_min3A_35 : vector<2048xi32> to vector<2048x1xi32>
    %add3A_37 = arith.addf %broadcast_in_dim3A_17, %broadcast_in_dim3A_28 : vector<2048x1xf32>
    %add3A_38 = arith.constant 9.99999997E-7 : f32
    %add3A_39 = vector.broadcast %add3A_38 : f32 to vector<2048x1xf32>
    %add3A_40 = arith.addf %add3A_37, %add3A_39 : vector<2048x1xf32>
    %div3A_41 = arith.divf %broadcast_in_dim3A_17, %add3A_40 : vector<2048x1xf32>
    %div3A_42 = arith.divf %broadcast_in_dim3A_28, %add3A_40 : vector<2048x1xf32>
    %concatenate3A = tpu.concatenate %div3A_41, %div3A_42 in 1 : vector<2048x1xf32>, vector<2048x1xf32> -> vector<2048x2xf32>
    %swap3A = arith.constant 0 : index
    %swap3A_43 = arith.constant 0 : index
    %swap3A_44 = vector.load %arg5[%swap3A, %swap3A_43] : memref<2048x2xf32, #tpu.memory_space<vmem>>, vector<2048x2xf32>
    tpu.vector_store %arg5[%swap3A, %swap3A_43], %concatenate3A {strides = array<i32>} : memref<2048x2xf32, #tpu.memory_space<vmem>>, vector<2048x2xf32>,
    %concatenate3A_45 = tpu.concatenate %broadcast_in_dim3A_21, %broadcast_in_dim3A_36 in 0 : vector<2048x1xi32>, vector<2048x1xi32> -> vector<4096x1xi32>
    %iota3A_46 = tpu.iota {dimensions = array<i32: 1>} : vector<4096x8xi32>
    %eq3A_47 = vector.broadcast %concatenate3A_45 : vector<4096x1xi32> to vector<4096x8xi32>
    %eq3A_48 = arith.cmpi eq, %eq3A_47, %iota3A_46 : vector<4096x8xi32>
    %convert_element_type3A = arith.extui %eq3A_48 : vector<4096x8xi1> to vector<4096x8xi32>
    %broadcast_in_dim3A_49 = arith.constant 0 : i32
    %broadcast_in_dim3A_50 = vector.broadcast %broadcast_in_dim3A_49 : i32 to vector<1x8xi32>
    %slice3A = vector.extract_strided_slice %convert_element_type3A {offsets = [0, 0], sizes = [4095, 8], strides = [1, 1]} : vector<4096x8xi32> to vector<4095x8xi32>
    %concatenate3A_51 = tpu.concatenate %broadcast_in_dim3A_50, %slice3A in 0 : vector<1x8xi32>, vector<4095x8xi32> -> vector<4096x8xi32>
    %add3A_52 = arith.addi %convert_element_type3A, %concatenate3A_51 : vector<4096x8xi32>
    %broadcast_in_dim3A_53 = arith.constant 0 : i32
    %broadcast_in_dim3A_54 = vector.broadcast %broadcast_in_dim3A_53 : i32 to vector<2x8xi32>
    %slice3A_55 = vector.extract_strided_slice %add3A_52 {offsets = [0, 0], sizes = [4094, 8], strides = [1, 1]} : vector<4096x8xi32> to vector<4094x8xi32>
    %concatenate3A_56 = tpu.concatenate %broadcast_in_dim3A_54, %slice3A_55 in 0 : vector<2x8xi32>, vector<4094x8xi32> -> vector<4096x8xi32>
    %add3A_57 = arith.addi %add3A_52, %concatenate3A_56 : vector<4096x8xi32>
    %broadcast_in_dim3A_58 = arith.constant 0 : i32
    %broadcast_in_dim3A_59 = vector.broadcast %broadcast_in_dim3A_58 : i32 to vector<4x8xi32>
    %slice3A_60 = vector.extract_strided_slice %add3A_57 {offsets = [0, 0], sizes = [4092, 8], strides = [1, 1]} : vector<4096x8xi32> to vector<4092x8xi32>
    %concatenate3A_61 = tpu.concatenate %broadcast_in_dim3A_59, %slice3A_60 in 0 : vector<4x8xi32>, vector<4092x8xi32> -> vector<4096x8xi32>
    %add3A_62 = arith.addi %add3A_57, %concatenate3A_61 : vector<4096x8xi32>
    %broadcast_in_dim3A_63 = arith.constant 0 : i32
    %broadcast_in_dim3A_64 = vector.broadcast %broadcast_in_dim3A_63 : i32 to vector<8x8xi32>
    %slice3A_65 = vector.extract_strided_slice %add3A_62 {offsets = [0, 0], sizes = [4088, 8], strides = [1, 1]} : vector<4096x8xi32> to vector<4088x8xi32>
    %concatenate3A_66 = tpu.concatenate %broadcast_in_dim3A_64, %slice3A_65 in 0 : vector<8x8xi32>, vector<4088x8xi32> -> vector<4096x8xi32>
    %add3A_67 = arith.addi %add3A_62, %concatenate3A_66 : vector<4096x8xi32>
    %broadcast_in_dim3A_68 = arith.constant 0 : i32
    %broadcast_in_dim3A_69 = vector.broadcast %broadcast_in_dim3A_68 : i32 to vector<16x8xi32>
    %slice3A_70 = vector.extract_strided_slice %add3A_67 {offsets = [0, 0], sizes = [4080, 8], strides = [1, 1]} : vector<4096x8xi32> to vector<4080x8xi32>
    %concatenate3A_71 = tpu.concatenate %broadcast_in_dim3A_69, %slice3A_70 in 0 : vector<16x8xi32>, vector<4080x8xi32> -> vector<4096x8xi32>
    %add3A_72 = arith.addi %add3A_67, %concatenate3A_71 : vector<4096x8xi32>
    %broadcast_in_dim3A_73 = arith.constant 0 : i32
    %broadcast_in_dim3A_74 = vector.broadcast %broadcast_in_dim3A_73 : i32 to vector<32x8xi32>
    %slice3A_75 = vector.extract_strided_slice %add3A_72 {offsets = [0, 0], sizes = [4064, 8], strides = [1, 1]} : vector<4096x8xi32> to vector<4064x8xi32>
    %concatenate3A_76 = tpu.concatenate %broadcast_in_dim3A_74, %slice3A_75 in 0 : vector<32x8xi32>, vector<4064x8xi32> -> vector<4096x8xi32>
    %add3A_77 = arith.addi %add3A_72, %concatenate3A_76 : vector<4096x8xi32>
    %broadcast_in_dim3A_78 = arith.constant 0 : i32
    %broadcast_in_dim3A_79 = vector.broadcast %broadcast_in_dim3A_78 : i32 to vector<64x8xi32>
    %slice3A_80 = vector.extract_strided_slice %add3A_77 {offsets = [0, 0], sizes = [4032, 8], strides = [1, 1]} : vector<4096x8xi32> to vector<4032x8xi32>
    %concatenate3A_81 = tpu.concatenate %broadcast_in_dim3A_79, %slice3A_80 in 0 : vector<64x8xi32>, vector<4032x8xi32> -> vector<4096x8xi32>
    %add3A_82 = arith.addi %add3A_77, %concatenate3A_81 : vector<4096x8xi32>
    %broadcast_in_dim3A_83 = arith.constant 0 : i32
    %broadcast_in_dim3A_84 = vector.broadcast %broadcast_in_dim3A_83 : i32 to vector<128x8xi32>
    %slice3A_85 = vector.extract_strided_slice %add3A_82 {offsets = [0, 0], sizes = [3968, 8], strides = [1, 1]} : vector<4096x8xi32> to vector<3968x8xi32>
    %concatenate3A_86 = tpu.concatenate %broadcast_in_dim3A_84, %slice3A_85 in 0 : vector<128x8xi32>, vector<3968x8xi32> -> vector<4096x8xi32>
    %add3A_87 = arith.addi %add3A_82, %concatenate3A_86 : vector<4096x8xi32>
    %broadcast_in_dim3A_88 = arith.constant 0 : i32
    %broadcast_in_dim3A_89 = vector.broadcast %broadcast_in_dim3A_88 : i32 to vector<256x8xi32>
    %slice3A_90 = vector.extract_strided_slice %add3A_87 {offsets = [0, 0], sizes = [3840, 8], strides = [1, 1]} : vector<4096x8xi32> to vector<3840x8xi32>
    %concatenate3A_91 = tpu.concatenate %broadcast_in_dim3A_89, %slice3A_90 in 0 : vector<256x8xi32>, vector<3840x8xi32> -> vector<4096x8xi32>
    %add3A_92 = arith.addi %add3A_87, %concatenate3A_91 : vector<4096x8xi32>
    %broadcast_in_dim3A_93 = arith.constant 0 : i32
    %broadcast_in_dim3A_94 = vector.broadcast %broadcast_in_dim3A_93 : i32 to vector<512x8xi32>
    %slice3A_95 = vector.extract_strided_slice %add3A_92 {offsets = [0, 0], sizes = [3584, 8], strides = [1, 1]} : vector<4096x8xi32> to vector<3584x8xi32>
    %concatenate3A_96 = tpu.concatenate %broadcast_in_dim3A_94, %slice3A_95 in 0 : vector<512x8xi32>, vector<3584x8xi32> -> vector<4096x8xi32>
    %add3A_97 = arith.addi %add3A_92, %concatenate3A_96 : vector<4096x8xi32>
    %broadcast_in_dim3A_98 = arith.constant 0 : i32
    %broadcast_in_dim3A_99 = vector.broadcast %broadcast_in_dim3A_98 : i32 to vector<1024x8xi32>
    %slice3A_100 = vector.extract_strided_slice %add3A_97 {offsets = [0, 0], sizes = [3072, 8], strides = [1, 1]} : vector<4096x8xi32> to vector<3072x8xi32>
    %concatenate3A_101 = tpu.concatenate %broadcast_in_dim3A_99, %slice3A_100 in 0 : vector<1024x8xi32>, vector<3072x8xi32> -> vector<4096x8xi32>
    %add3A_102 = arith.addi %add3A_97, %concatenate3A_101 : vector<4096x8xi32>
    %broadcast_in_dim3A_103 = arith.constant 0 : i32
    %broadcast_in_dim3A_104 = vector.broadcast %broadcast_in_dim3A_103 : i32 to vector<2048x8xi32>
    %slice3A_105 = vector.extract_strided_slice %add3A_102 {offsets = [0, 0], sizes = [2048, 8], strides = [1, 1]} : vector<4096x8xi32> to vector<2048x8xi32>
    %concatenate3A_106 = tpu.concatenate %broadcast_in_dim3A_104, %slice3A_105 in 0 : vector<2048x8xi32>, vector<2048x8xi32> -> vector<4096x8xi32>
    %add3A_107 = arith.addi %add3A_102, %concatenate3A_106 : vector<4096x8xi32>
    %mul3A = arith.muli %convert_element_type3A, %add3A_107 : vector<4096x8xi32>
    %reduce_sum3A_108 = arith.constant dense<0> : vector<4096xi32>
    %reduce_sum3A_109 = vector.multi_reduction <add>, %mul3A, %reduce_sum3A_108 [1] : vector<4096x8xi32> to vector<4096xi32>
    %broadcast_in_dim3A_110 = vector.shape_cast %reduce_sum3A_109 : vector<4096xi32> to vector<4096x1xi32>
    %sub3A_111 = arith.constant 1 : i32
    %sub3A_112 = vector.broadcast %sub3A_111 : i32 to vector<4096x1xi32>
    %sub3A_113 = arith.subi %broadcast_in_dim3A_110, %sub3A_112 : vector<4096x1xi32>
    %slice3A_114 = vector.extract_strided_slice %add3A_107 {offsets = [4095, 0], sizes = [1, 8], strides = [1, 1]} : vector<4096x8xi32> to vector<1x8xi32>
    %add3A_115 = arith.constant 128 : i32
    %add3A_116 = vector.broadcast %add3A_115 : i32 to vector<1x8xi32>
    %add3A_117 = arith.addi %slice3A_114, %add3A_116 : vector<1x8xi32>
    %sub3A_118 = arith.constant 1 : i32
    %sub3A_119 = vector.broadcast %sub3A_118 : i32 to vector<1x8xi32>
    %sub3A_120 = arith.subi %add3A_117, %sub3A_119 : vector<1x8xi32>
    %jit3A_121 = arith.constant 128 : i32
    %div3A_122 = vector.broadcast %jit3A_121 : i32 to vector<1x8xi32>
    %div3A_123 = arith.divsi %sub3A_120, %div3A_122 : vector<1x8xi32>
    %sign3A = arith.constant 0 : i32
    %sign3A_124 = vector.broadcast %sign3A : i32 to vector<1x8xi32>
    %sign3A_125 = arith.cmpi sgt, %sub3A_120, %sign3A_124 : vector<1x8xi32>
    %sign3A_126 = arith.extui %sign3A_125 : vector<1x8xi1> to vector<1x8xi32>
    %sign3A_127 = arith.constant 0 : i32
    %sign3A_128 = vector.broadcast %sign3A_127 : i32 to vector<1x8xi32>
    %sign3A_129 = arith.cmpi slt, %sub3A_120, %sign3A_128 : vector<1x8xi32>
    %sign3A_130 = arith.extui %sign3A_129 : vector<1x8xi1> to vector<1x8xi32>
    %sign3A_131 = arith.subi %sign3A_126, %sign3A_130 : vector<1x8xi32>
    %sign3A_132 = arith.constant 0 : i32
    %sign3A_133 = arith.cmpi sgt, %jit3A_121, %sign3A_132 : i32
    %sign3A_134 = arith.extui %sign3A_133 : i1 to i32
    %sign3A_135 = arith.constant 0 : i32
    %sign3A_136 = arith.cmpi slt, %jit3A_121, %sign3A_135 : i32
    %sign3A_137 = arith.extui %sign3A_136 : i1 to i32
    %sign3A_138 = arith.subi %sign3A_134, %sign3A_137 : i32
    %ne3A = vector.broadcast %sign3A_138 : i32 to vector<1x8xi32>
    %ne3A_139 = arith.cmpi ne, %sign3A_131, %ne3A : vector<1x8xi32>
    %rem3A = vector.broadcast %jit3A_121 : i32 to vector<1x8xi32>
    %rem3A_140 = arith.remsi %sub3A_120, %rem3A : vector<1x8xi32>
    %ne3A_141 = arith.constant 0 : i32
    %ne3A_142 = vector.broadcast %ne3A_141 : i32 to vector<1x8xi32>
    %ne3A_143 = arith.cmpi ne, %rem3A_140, %ne3A_142 : vector<1x8xi32>
    %and3A = arith.andi %ne3A_139, %ne3A_143 : vector<1x8xi1>
    %sub3A_144 = arith.constant 1 : i32
    %sub3A_145 = vector.broadcast %sub3A_144 : i32 to vector<1x8xi32>
    %sub3A_146 = arith.subi %div3A_123, %sub3A_145 : vector<1x8xi32>
    %select_n3A_147 = arith.select %and3A, %sub3A_146, %div3A_123 : vector<1x8xi1>, vector<1x8xi32>
    %mul3A_148 = arith.constant 128 : i32
    %mul3A_149 = vector.broadcast %mul3A_148 : i32 to vector<1x8xi32>
    %mul3A_150 = arith.muli %select_n3A_147, %mul3A_149 : vector<1x8xi32>
    %iota3A_151 = tpu.iota {dimensions = array<i32: 0>} : vector<8x8xi32>
    %iota3A_152 = tpu.iota {dimensions = array<i32: 1>} : vector<8x8xi32>
    %lt3A = arith.cmpi slt, %iota3A_151, %iota3A_152 : vector<8x8xi32>
    %convert_element_type3A_153 = arith.extui %lt3A : vector<8x8xi1> to vector<8x8xi32>
    %convert_element_type3A_154 = arith.sitofp %convert_element_type3A_153 : vector<8x8xi32> to vector<8x8xf32>
    %convert_element_type3A_155 = arith.sitofp %mul3A_150 : vector<1x8xi32> to vector<1x8xf32>
    %dot_general3A_156 = arith.constant dense<0.000000e+00> : vector<1x8xf32>
    %dot_general3A_157 = tpu.matmul %convert_element_type3A_155, %convert_element_type3A_154, %dot_general3A_156 {dimension_numbers = #tpu.dot_dimension_numbers<[1], [0], [0], [1], [0, 0, 1, 1], [], []>, transpose_lhs_hint = false} : vector<1x8xf32>, vector<8x8xf32>, vector<1x8xf32> -> vector<1x8xf32>
    %convert_element_type3A_158 = arith.fptosi %dot_general3A_157 : vector<1x8xf32> to vector<1x8xi32>
    %mul3A_159 = vector.broadcast %convert_element_type3A_158 : vector<1x8xi32> to vector<4096x8xi32>
    %mul3A_160 = arith.muli %convert_element_type3A, %mul3A_159 : vector<4096x8xi32>
    %reduce_sum3A_161 = arith.constant dense<0> : vector<4096xi32>
    %reduce_sum3A_162 = vector.multi_reduction <add>, %mul3A_160, %reduce_sum3A_161 [1] : vector<4096x8xi32> to vector<4096xi32>
    %broadcast_in_dim3A_163 = vector.shape_cast %reduce_sum3A_162 : vector<4096xi32> to vector<4096x1xi32>
    %add3A_164 = arith.addi %broadcast_in_dim3A_163, %sub3A_113 : vector<4096x1xi32>
    %swap3A_165 = arith.constant 0 : index
    %swap3A_166 = arith.constant 0 : index
    %swap3A_167 = vector.load %arg3[%swap3A_165, %swap3A_166] : memref<4096x1xi32, #tpu.memory_space<vmem>>, vector<4096x1xi32>
    tpu.vector_store %arg3[%swap3A_165, %swap3A_166], %add3A_164 {strides = array<i32>} : memref<4096x1xi32, #tpu.memory_space<vmem>>, vector<4096x1xi32>,
    %jit3A_168 = arith.constant 128 : i32
    %div3A_169 = vector.broadcast %jit3A_168 : i32 to vector<1x8xi32>
    %div3A_170 = arith.divsi %convert_element_type3A_158, %div3A_169 : vector<1x8xi32>
    %sign3A_171 = arith.constant 0 : i32
    %sign3A_172 = vector.broadcast %sign3A_171 : i32 to vector<1x8xi32>
    %sign3A_173 = arith.cmpi sgt, %convert_element_type3A_158, %sign3A_172 : vector<1x8xi32>
    %sign3A_174 = arith.extui %sign3A_173 : vector<1x8xi1> to vector<1x8xi32>
    %sign3A_175 = arith.constant 0 : i32
    %sign3A_176 = vector.broadcast %sign3A_175 : i32 to vector<1x8xi32>
    %sign3A_177 = arith.cmpi slt, %convert_element_type3A_158, %sign3A_176 : vector<1x8xi32>
    %sign3A_178 = arith.extui %sign3A_177 : vector<1x8xi1> to vector<1x8xi32>
    %sign3A_179 = arith.subi %sign3A_174, %sign3A_178 : vector<1x8xi32>
    %sign3A_180 = arith.constant 0 : i32
    %sign3A_181 = arith.cmpi sgt, %jit3A_168, %sign3A_180 : i32
    %sign3A_182 = arith.extui %sign3A_181 : i1 to i32
    %sign3A_183 = arith.constant 0 : i32
    %sign3A_184 = arith.cmpi slt, %jit3A_168, %sign3A_183 : i32
    %sign3A_185 = arith.extui %sign3A_184 : i1 to i32
    %sign3A_186 = arith.subi %sign3A_182, %sign3A_185 : i32
    %ne3A_187 = vector.broadcast %sign3A_186 : i32 to vector<1x8xi32>
    %ne3A_188 = arith.cmpi ne, %sign3A_179, %ne3A_187 : vector<1x8xi32>
    %rem3A_189 = vector.broadcast %jit3A_168 : i32 to vector<1x8xi32>
    %rem3A_190 = arith.remsi %convert_element_type3A_158, %rem3A_189 : vector<1x8xi32>
    %ne3A_191 = arith.constant 0 : i32
    %ne3A_192 = vector.broadcast %ne3A_191 : i32 to vector<1x8xi32>
    %ne3A_193 = arith.cmpi ne, %rem3A_190, %ne3A_192 : vector<1x8xi32>
    %and3A_194 = arith.andi %ne3A_188, %ne3A_193 : vector<1x8xi1>
    %sub3A_195 = arith.constant 1 : i32
    %sub3A_196 = vector.broadcast %sub3A_195 : i32 to vector<1x8xi32>
    %sub3A_197 = arith.subi %div3A_170, %sub3A_196 : vector<1x8xi32>
    %select_n3A_198 = arith.select %and3A_194, %sub3A_197, %div3A_170 : vector<1x8xi1>, vector<1x8xi32>
    %jit3A_199 = arith.constant 128 : i32
    %div3A_200 = vector.broadcast %jit3A_199 : i32 to vector<1x8xi32>
    %div3A_201 = arith.divsi %mul3A_150, %div3A_200 : vector<1x8xi32>
    %sign3A_202 = arith.constant 0 : i32
    %sign3A_203 = vector.broadcast %sign3A_202 : i32 to vector<1x8xi32>
    %sign3A_204 = arith.cmpi sgt, %mul3A_150, %sign3A_203 : vector<1x8xi32>
    %sign3A_205 = arith.extui %sign3A_204 : vector<1x8xi1> to vector<1x8xi32>
    %sign3A_206 = arith.constant 0 : i32
    %sign3A_207 = vector.broadcast %sign3A_206 : i32 to vector<1x8xi32>
    %sign3A_208 = arith.cmpi slt, %mul3A_150, %sign3A_207 : vector<1x8xi32>
    %sign3A_209 = arith.extui %sign3A_208 : vector<1x8xi1> to vector<1x8xi32>
    %sign3A_210 = arith.subi %sign3A_205, %sign3A_209 : vector<1x8xi32>
    %sign3A_211 = arith.constant 0 : i32
    %sign3A_212 = arith.cmpi sgt, %jit3A_199, %sign3A_211 : i32
    %sign3A_213 = arith.extui %sign3A_212 : i1 to i32
    %sign3A_214 = arith.constant 0 : i32
    %sign3A_215 = arith.cmpi slt, %jit3A_199, %sign3A_214 : i32
    %sign3A_216 = arith.extui %sign3A_215 : i1 to i32
    %sign3A_217 = arith.subi %sign3A_213, %sign3A_216 : i32
    %ne3A_218 = vector.broadcast %sign3A_217 : i32 to vector<1x8xi32>
    %ne3A_219 = arith.cmpi ne, %sign3A_210, %ne3A_218 : vector<1x8xi32>
    %rem3A_220 = vector.broadcast %jit3A_199 : i32 to vector<1x8xi32>
    %rem3A_221 = arith.remsi %mul3A_150, %rem3A_220 : vector<1x8xi32>
    %ne3A_222 = arith.constant 0 : i32
    %ne3A_223 = vector.broadcast %ne3A_222 : i32 to vector<1x8xi32>
    %ne3A_224 = arith.cmpi ne, %rem3A_221, %ne3A_223 : vector<1x8xi32>
    %and3A_225 = arith.andi %ne3A_219, %ne3A_224 : vector<1x8xi1>
    %sub3A_226 = arith.constant 1 : i32
    %sub3A_227 = vector.broadcast %sub3A_226 : i32 to vector<1x8xi32>
    %sub3A_228 = arith.subi %div3A_201, %sub3A_227 : vector<1x8xi32>
    %select_n3A_229 = arith.select %and3A_225, %sub3A_228, %div3A_201 : vector<1x8xi1>, vector<1x8xi32>
    %add3A_230 = arith.addi %select_n3A_198, %select_n3A_229 : vector<1x8xi32>
    %iota3A_231 = tpu.iota {dimensions = array<i32: 0>} : vector<40x8xi32>
    %ge3A_232 = vector.broadcast %select_n3A_198 : vector<1x8xi32> to vector<40x8xi32>
    %ge3A_233 = arith.cmpi sge, %iota3A_231, %ge3A_232 : vector<40x8xi32>
    %lt3A_234 = vector.broadcast %add3A_230 : vector<1x8xi32> to vector<40x8xi32>
    %lt3A_235 = arith.cmpi slt, %iota3A_231, %lt3A_234 : vector<40x8xi32>
    %and3A_236 = arith.andi %ge3A_233, %lt3A_235 : vector<40x8xi1>
    %iota3A_237 = tpu.iota {dimensions = array<i32: 1>} : vector<40x8xi32>
    %jit3A_238 = arith.constant 0 : i32
    %broadcast_in_dim3A_239 = vector.broadcast %jit3A_238 : i32 to vector<40x8xi32>
    %select_n3A_240 = arith.select %and3A_236, %iota3A_237, %broadcast_in_dim3A_239 : vector<40x8xi1>, vector<40x8xi32>
    %reduce_sum3A_241 = arith.constant dense<0> : vector<40xi32>
    %reduce_sum3A_242 = vector.multi_reduction <add>, %select_n3A_240, %reduce_sum3A_241 [1] : vector<40x8xi32> to vector<40xi32>
    %broadcast_in_dim3A_243 = vector.shape_cast %reduce_sum3A_242 : vector<40xi32> to vector<40x1xi32>
    %swap3A_244 = arith.constant 0 : index
    %swap3A_245 = arith.constant 0 : index
    %swap3A_246 = vector.load %arg4[%swap3A_244, %swap3A_245] : memref<40x1xi32, #tpu.memory_space<vmem>>, vector<40x1xi32>
    tpu.vector_store %arg4[%swap3A_244, %swap3A_245], %broadcast_in_dim3A_243 {strides = array<i32>} : memref<40x1xi32, #tpu.memory_space<vmem>>, vector<40x1xi32>,
    return
  }
}

module attributes {stable_mosaic.version = 14 : i64} {
  func.func @_ffn_body(%arg0: i32, %arg1: memref<40xi32, #tpu.memory_space<smem>>, %arg2: memref<128x768xf32, #tpu.memory_space<vmem>>, %arg3: memref<1x3072x768xbf16, #tpu.memory_space<vmem>>, %arg4: memref<1x1x3072xf32, #tpu.memory_space<vmem>>, %arg5: memref<1x768x1536xbf16, #tpu.memory_space<vmem>>, %arg6: memref<1x1x768xf32, #tpu.memory_space<vmem>>, %arg7: memref<128x768xf32, #tpu.memory_space<vmem>>) attributes {dimension_semantics = [#tpu.dimension_semantics<arbitrary>], iteration_bounds = array<i64: 40>, scalar_prefetch = 1 : i64, scratch_operands = 0 : i64, tpu.core_type = #tpu.core_type<tc>, window_params = [{transform_indices = @transform_0, window_bounds = array<i64: 128, 768>}, {transform_indices = @transform_1, window_bounds = array<i64: 1, 3072, 768>}, {transform_indices = @transform_2, window_bounds = array<i64: 1, 1, 3072>}, {transform_indices = @transform_3, window_bounds = array<i64: 1, 768, 1536>}, {transform_indices = @transform_4, window_bounds = array<i64: 1, 1, 768>}, {transform_indices = @transform_5, window_bounds = array<i64: 128, 768>}]} {
    %get3A = arith.constant 0 : index
    %get3A_0 = arith.constant 0 : index
    %get3A_1 = vector.load %arg2[%get3A, %get3A_0] : memref<128x768xf32, #tpu.memory_space<vmem>>, vector<128x768xf32>
    %convert_element_type3A = arith.truncf %get3A_1 : vector<128x768xf32> to vector<128x768xbf16>
    %get3A_2 = arith.constant 0 : index
    %get3A_3 = arith.constant 0 : index
    %get3A_4 = arith.constant 0 : index
    %get3A_5 = vector.load %arg3[%get3A_2, %get3A_3, %get3A_4] : memref<1x3072x768xbf16, #tpu.memory_space<vmem>>, vector<1x3072x768xbf16>
    %get3A_6 = vector.shape_cast %get3A_5 : vector<1x3072x768xbf16> to vector<3072x768xbf16>
    %dot_general3A = arith.constant dense<0.000000e+00> : vector<128x3072xf32>
    %dot_general3A_7 = tpu.matmul %convert_element_type3A, %get3A_6, %dot_general3A {dimension_numbers = #tpu.dot_dimension_numbers<[1], [1], [0], [0], [0, 0, 1, 0], [], []>, transpose_lhs_hint = false} : vector<128x768xbf16>, vector<3072x768xbf16>, vector<128x3072xf32> -> vector<128x3072xf32>
    %get3A_8 = arith.constant 0 : index
    %get3A_9 = arith.constant 0 : index
    %get3A_10 = arith.constant 0 : index
    %get3A_11 = vector.load %arg4[%get3A_8, %get3A_9, %get3A_10] : memref<1x1x3072xf32, #tpu.memory_space<vmem>>, vector<1x1x3072xf32>
    %get3A_12 = vector.shape_cast %get3A_11 : vector<1x1x3072xf32> to vector<1x3072xf32>
    %add3A = vector.broadcast %get3A_12 : vector<1x3072xf32> to vector<128x3072xf32>
    %add3A_13 = arith.addf %dot_general3A_7, %add3A : vector<128x3072xf32>
    %slice3A = vector.extract_strided_slice %add3A_13 {offsets = [0, 0], sizes = [128, 1536], strides = [1, 1]} : vector<128x3072xf32> to vector<128x1536xf32>
    %slice3A_14 = vector.extract_strided_slice %add3A_13 {offsets = [0, 1536], sizes = [128, 1536], strides = [1, 1]} : vector<128x3072xf32> to vector<128x1536xf32>
    %mul3A = arith.constant 5.000000e-01 : f32
    %mul3A_15 = vector.broadcast %mul3A : f32 to vector<128x1536xf32>
    %mul3A_16 = arith.mulf %mul3A_15, %slice3A_14 : vector<128x1536xf32>
    %mul3A_17 = arith.constant 0.707106769 : f32
    %mul3A_18 = vector.broadcast %mul3A_17 : f32 to vector<128x1536xf32>
    %mul3A_19 = arith.mulf %slice3A_14, %mul3A_18 : vector<128x1536xf32>
    %erf3A = math.erf %mul3A_19 : vector<128x1536xf32>
    %add3A_20 = arith.constant 1.000000e+00 : f32
    %add3A_21 = vector.broadcast %add3A_20 : f32 to vector<128x1536xf32>
    %add3A_22 = arith.addf %add3A_21, %erf3A : vector<128x1536xf32>
    %mul3A_23 = arith.mulf %mul3A_16, %add3A_22 : vector<128x1536xf32>
    %mul3A_24 = arith.mulf %slice3A, %mul3A_23 : vector<128x1536xf32>
    %convert_element_type3A_25 = arith.truncf %mul3A_24 : vector<128x1536xf32> to vector<128x1536xbf16>
    %get3A_26 = arith.constant 0 : index
    %get3A_27 = arith.constant 0 : index
    %get3A_28 = arith.constant 0 : index
    %get3A_29 = vector.load %arg5[%get3A_26, %get3A_27, %get3A_28] : memref<1x768x1536xbf16, #tpu.memory_space<vmem>>, vector<1x768x1536xbf16>
    %get3A_30 = vector.shape_cast %get3A_29 : vector<1x768x1536xbf16> to vector<768x1536xbf16>
    %dot_general3A_31 = arith.constant dense<0.000000e+00> : vector<128x768xf32>
    %dot_general3A_32 = tpu.matmul %convert_element_type3A_25, %get3A_30, %dot_general3A_31 {dimension_numbers = #tpu.dot_dimension_numbers<[1], [1], [0], [0], [0, 0, 1, 0], [], []>, transpose_lhs_hint = false} : vector<128x1536xbf16>, vector<768x1536xbf16>, vector<128x768xf32> -> vector<128x768xf32>
    %get3A_33 = arith.constant 0 : index
    %get3A_34 = arith.constant 0 : index
    %get3A_35 = arith.constant 0 : index
    %get3A_36 = vector.load %arg6[%get3A_33, %get3A_34, %get3A_35] : memref<1x1x768xf32, #tpu.memory_space<vmem>>, vector<1x1x768xf32>
    %get3A_37 = vector.shape_cast %get3A_36 : vector<1x1x768xf32> to vector<1x768xf32>
    %add3A_38 = vector.broadcast %get3A_37 : vector<1x768xf32> to vector<128x768xf32>
    %add3A_39 = arith.addf %dot_general3A_32, %add3A_38 : vector<128x768xf32>
    %swap3A = arith.constant 0 : index
    %swap3A_40 = arith.constant 0 : index
    %swap3A_41 = vector.load %arg7[%swap3A, %swap3A_40] : memref<128x768xf32, #tpu.memory_space<vmem>>, vector<128x768xf32>
    tpu.vector_store %arg7[%swap3A, %swap3A_40], %add3A_39 {strides = array<i32>} : memref<128x768xf32, #tpu.memory_space<vmem>>, vector<128x768xf32>,
    return
  }
  func.func @transform_0(%arg0: i32, %arg1: memref<40xi32, #tpu.memory_space<smem>>) -> (i32, i32) {
    %c0_i32 = arith.constant 0 : i32
    %c0_i32_0 = arith.constant 0 : i32
    return %arg0, %c0_i32 : i32, i32
  }
  func.func @transform_1(%arg0: i32, %arg1: memref<40xi32, #tpu.memory_space<smem>>) -> (i32, i32, i32) {
    %get3A = arith.index_cast %arg0 : i32 to index
    %get3A_0 = memref.load %arg1[%get3A] : memref<40xi32, #tpu.memory_space<smem>>
    %c0_i32 = arith.constant 0 : i32
    %c0_i32_1 = arith.constant 0 : i32
    %c0_i32_2 = arith.constant 0 : i32
    return %get3A_0, %c0_i32, %c0_i32_1 : i32, i32, i32
  }
  func.func @transform_2(%arg0: i32, %arg1: memref<40xi32, #tpu.memory_space<smem>>) -> (i32, i32, i32) {
    %get3A = arith.index_cast %arg0 : i32 to index
    %get3A_0 = memref.load %arg1[%get3A] : memref<40xi32, #tpu.memory_space<smem>>
    %c0_i32 = arith.constant 0 : i32
    %c0_i32_1 = arith.constant 0 : i32
    %c0_i32_2 = arith.constant 0 : i32
    return %get3A_0, %c0_i32, %c0_i32_1 : i32, i32, i32
  }
  func.func @transform_3(%arg0: i32, %arg1: memref<40xi32, #tpu.memory_space<smem>>) -> (i32, i32, i32) {
    %get3A = arith.index_cast %arg0 : i32 to index
    %get3A_0 = memref.load %arg1[%get3A] : memref<40xi32, #tpu.memory_space<smem>>
    %c0_i32 = arith.constant 0 : i32
    %c0_i32_1 = arith.constant 0 : i32
    %c0_i32_2 = arith.constant 0 : i32
    return %get3A_0, %c0_i32, %c0_i32_1 : i32, i32, i32
  }
  func.func @transform_4(%arg0: i32, %arg1: memref<40xi32, #tpu.memory_space<smem>>) -> (i32, i32, i32) {
    %get3A = arith.index_cast %arg0 : i32 to index
    %get3A_0 = memref.load %arg1[%get3A] : memref<40xi32, #tpu.memory_space<smem>>
    %c0_i32 = arith.constant 0 : i32
    %c0_i32_1 = arith.constant 0 : i32
    %c0_i32_2 = arith.constant 0 : i32
    return %get3A_0, %c0_i32, %c0_i32_1 : i32, i32, i32
  }
  func.func @transform_5(%arg0: i32, %arg1: memref<40xi32, #tpu.memory_space<smem>>) -> (i32, i32) {
    %c0_i32 = arith.constant 0 : i32
    %c0_i32_0 = arith.constant 0 : i32
    return %arg0, %c0_i32 : i32, i32
  }
}

module attributes {stable_mosaic.version = 14 : i64} {
  func.func @_combine_body(%arg0: memref<2048x768xf32, #tpu.memory_space<vmem>>, %arg1: memref<2048x768xf32, #tpu.memory_space<vmem>>, %arg2: memref<2048x2xf32, #tpu.memory_space<vmem>>, %arg3: memref<2048x768xf32, #tpu.memory_space<vmem>>) attributes {dimension_semantics = [], scalar_prefetch = 0 : i64, scratch_operands = 0 : i64, tpu.core_type = #tpu.core_type<tc>} {
    %get3A = arith.constant 0 : index
    %get3A_0 = arith.constant 0 : index
    %get3A_1 = vector.load %arg2[%get3A, %get3A_0] : memref<2048x2xf32, #tpu.memory_space<vmem>>, vector<2048x1xf32>
    %get3A_2 = arith.constant 0 : index
    %get3A_3 = arith.constant 1 : index
    %get3A_4 = vector.load %arg2[%get3A_2, %get3A_3] : memref<2048x2xf32, #tpu.memory_space<vmem>>, vector<2048x1xf32>
    %get3A_5 = arith.constant 0 : index
    %get3A_6 = arith.constant 0 : index
    %get3A_7 = vector.load %arg0[%get3A_5, %get3A_6] : memref<2048x768xf32, #tpu.memory_space<vmem>>, vector<2048x768xf32>
    %mul3A = vector.broadcast %get3A_1 : vector<2048x1xf32> to vector<2048x768xf32>
    %mul3A_8 = arith.mulf %mul3A, %get3A_7 : vector<2048x768xf32>
    %get3A_9 = arith.constant 0 : index
    %get3A_10 = arith.constant 0 : index
    %get3A_11 = vector.load %arg1[%get3A_9, %get3A_10] : memref<2048x768xf32, #tpu.memory_space<vmem>>, vector<2048x768xf32>
    %mul3A_12 = vector.broadcast %get3A_4 : vector<2048x1xf32> to vector<2048x768xf32>
    %mul3A_13 = arith.mulf %mul3A_12, %get3A_11 : vector<2048x768xf32>
    %add3A = arith.addf %mul3A_8, %mul3A_13 : vector<2048x768xf32>
    %swap3A = arith.constant 0 : index
    %swap3A_14 = arith.constant 0 : index
    %swap3A_15 = vector.load %arg3[%swap3A, %swap3A_14] : memref<2048x768xf32, #tpu.memory_space<vmem>>, vector<2048x768xf32>
    tpu.vector_store %arg3[%swap3A, %swap3A_14], %add3A {strides = array<i32>} : memref<2048x768xf32, #tpu.memory_space<vmem>>, vector<2048x768xf32>,
    return
  }
}

</mosaic_0001>

<sc_bundles>
// kernel: kernel.10.cloned.1.call-start
scs
__scs_entry_jumppad:
0x0: {  	(pc) =	sbr.rel $0x88, $3  }
0x1: {  	(tag) =	ssettag $0x0;
	lr =	simm.s32 $0x1  }
0x2: {  	[smem:$0x3F9A] =	sst lr;
	_ =	strace $0xD0000000  }
0x3: {  	_ = 	snop  }
0x4: {  	_ = 	snop  }
0x5: {  	_ = 	snop  }
0x6: {  	_ = 	snop  }
0x7: {  	_ = 	snop  }
__scs_overlays_trampoline_lowered:
0x8: {  	[smem:$0x3FA9] =	sst s0  }
0x9: {  	[smem:$0x3FAA] =	sst s1  }
0xa: {  	[smem:$0x3FAB] =	sst s2  }
0xb: {  	[smem:$0x3FAC] =	sst s3  }
0xc: {  	[smem:$0x3FAD] =	sst s4  }
0xd: {  	[smem:$0x3FAE] =	sst s5  }
0xe: {  	[smem:$0x3FAF] =	sst s6  }
0xf: {  	[smem:$0x3FB0] =	sst s7  }
0x10: {  	[smem:$0x3FB1] =	sst s8  }
0x11: {  	[smem:$0x3FB2] =	sst s9;
	s0 =	simm.s32 @!p0 $0x0  }
0x12: {  	s1 =	sld [smem:$0x3F98];
	s0 =	simm.s32 @p0 $0x1  }
0x13: {  	[smem:$0x3FB3] =	sst s0;
	s0 =	simm.s32 @!p1 $0x0  }
0x14: {  	s2 =	sld [smem:$0x3F97];
	s0 =	simm.s32 @p1 $0x1  }
0x15: {  	[smem:$0x3FB4] =	sst s0;
	s0 =	simm.s32 @!p2 $0x0  }
0x16: {  	s3 =	sld [smem:$0x3FDB];
	s0 =	simm.s32 @p2 $0x1  }
0x17: {  	s4 =	simm.s32 $0x1BF5;
	[smem:$0x3FB6] =	sst s0  }
0x18: {  	s0 =	sld [smem:$0x3F99];
	_ =	swait.ge [sflag:s4], $0x0  }
0x19: {  	s7 =	sld [smem:$0x3F9A]  }
0x1a: {  	s8 =	sadd.s32 $0xFFFFE003, lr  }
0x1b: {  	s9 =	sadd.s32 $0xFFFFFEF7, lr;
	s5 =	simm.s32 $0xFFFFFFFF;
	p2 =	slt.u32 s8, $0xFFFFF086  }
0x1c: {  	p1 =	slt.u32 s9, $0xF7A;
	s5 =	simm.s32 @!p2 $0x0  }
0x1d: {  	s5 =	simm.s32 @p1 $0x1;
	p0 =	seq.s32 s7, s2  }
0x1e: {  	s7 =	smul.u32 @!p0 $0xF7A, s2;
	p2 =	seq.s32 @!p0 s5, $0x0  }
0x1f: {  	s9 =	smul.u32 $0xF7A, s1;
	s8 =	simm.s32 @!p0 $0x1BF5;
	p2 =	por !p2, p0  }
0x20: {  	[sflag:s8] =	ssyncset.s32 @!p0 $0xFFFFF086;
	s6 =	sadd.s32 @!p0 s3, s7;
	s7 =	simm.s32 @!p0 $0x108  }
0x21: {  	s3 =	sadd.s32 s3, s9;
	s6 =	sadd.s32 @!p0 $0x88, s6;
	s7 =	simm.s32 @p2 $0x1082  }
0x22: {  	[simem:s7], [sflag:s8] =	dma.local @!p0 [hbm:s6], $0xF7A  }
0x23: {  	s9 =	sor.u32 $0xD0000000, s2;
	s6 =	simm.s32 $0x108;
	_ =	swait.ge @!p0 [sflag:s8], $0x0  }
0x24: {  	s3 =	sadd.s32 $0x88, s3;
	s6 =	simm.s32 @!p1 $0x1082;
	[sflag:s4] =	ssyncset.s32 $0xFFFFF086  }
0x25: {  	[simem:s6], [sflag:s4] =	dma.local [hbm:s3], $0xF7A  }
0x26: {  	[smem:$0x3F9A] =	sst s1;
	(tag) =	ssettag s2;
	_ =	strace s9  }
0x27: {  	s1 =	sld [smem:$0x3FAA]  }
0x28: {  	s2 =	sld [smem:$0x3FAB]  }
0x29: {  	s4 =	sld [smem:$0x3FAD]  }
0x2a: {  	p0 =	seq.s32 s5, $0x0;
	s5 =	sld [smem:$0x3FAE]  }
0x2b: {  	s6 =	sld [smem:$0x3FAF]  }
0x2c: {  	s7 =	sld [smem:$0x3FB0]  }
0x2d: {  	s3 =	simm.s32 $0x108;
	s8 =	sld [smem:$0x3FB1]  }
0x2e: {  	s3 =	simm.s32 @!p0 $0x1082;
	s9 =	sld [smem:$0x3FB2]  }
0x2f: {  	lr =	sadd.s32 s0, s3;
	s0 =	sld [smem:$0x3FA9]  }
0x30: {  	s3 =	sld [smem:$0x3FAC]  }
0x31: {  	[smem:$0x3FB5] =	sst s10  }
0x32: {  	s10 =	sld [smem:$0x3FB3];
	_ =	sdelay $0x3  }
0x33: {  	p0 =	seq.s32 s10, $0x1;
	s10 =	sld [smem:$0x3FB5];
	_ =	sdelay $0x3  }
0x34: {  	[smem:$0x3FB5] =	sst s10  }
0x35: {  	s10 =	sld [smem:$0x3FB4];
	_ =	sdelay $0x3  }
0x36: {  	p1 =	seq.s32 s10, $0x1;
	s10 =	sld [smem:$0x3FB5];
	_ =	sdelay $0x3  }
0x37: {  	[smem:$0x3FB5] =	sst s10  }
0x38: {  	s10 =	sld [smem:$0x3FB6]  }
0x39: {  	_ = 	snop;
	(pc) =	sbr.ind lr, $3  }
0x3a: {  	_ = 	snop  }
0x3b: {  	_ = 	snop  }
0x3c: {  	p2 =	seq.s32 s10, $0x1;
	s10 =	sld [smem:$0x3FB5]  }
0x3d: {  	_ =	shalt  }
0x3e: {  	_ =	shalt  }
0x3f: {  	_ =	shalt  }
0x40: {  	_ =	shalt  }
0x41: {  	_ =	shalt  }
0x42: {  	_ =	shalt  }
0x43: {  	_ =	shalt  }
0x44: {  	_ =	shalt  }
0x45: {  	_ =	shalt  }
0x46: {  	_ =	shalt  }
0x47: {  	_ =	shalt  }
0x48: {  	_ =	shalt  }
0x49: {  	_ =	shalt  }
0x4a: {  	_ =	shalt  }
0x4b: {  	_ =	shalt  }
0x4c: {  	_ =	shalt  }
0x4d: {  	_ =	shalt  }
0x4e: {  	_ =	shalt  }
0x4f: {  	_ =	shalt  }
0x50: {  	_ =	shalt  }
0x51: {  	_ =	shalt  }
0x52: {  	_ =	shalt  }
0x53: {  	_ =	shalt  }
0x54: {  	_ =	shalt  }
0x55: {  	_ =	shalt  }
0x56: {  	_ =	shalt  }
0x57: {  	_ =	shalt  }
0x58: {  	_ =	shalt  }
0x59: {  	_ =	shalt  }
0x5a: {  	_ =	shalt  }
0x5b: {  	_ =	shalt  }
0x5c: {  	_ =	shalt  }
0x5d: {  	_ =	shalt  }
0x5e: {  	_ =	shalt  }
0x5f: {  	_ =	shalt  }
0x60: {  	_ =	shalt  }
0x61: {  	_ =	shalt  }
0x62: {  	_ =	shalt  }
0x63: {  	_ =	shalt  }
0x64: {  	_ =	shalt  }
0x65: {  	_ =	shalt  }
0x66: {  	_ =	shalt  }
0x67: {  	_ =	shalt  }
0x68: {  	_ =	shalt  }
0x69: {  	_ =	shalt  }
0x6a: {  	_ =	shalt  }
0x6b: {  	_ =	shalt  }
0x6c: {  	_ =	shalt  }
0x6d: {  	_ =	shalt  }
0x6e: {  	_ =	shalt  }
0x6f: {  	_ =	shalt  }
0x70: {  	_ =	shalt  }
0x71: {  	_ =	shalt  }
0x72: {  	_ =	shalt  }
0x73: {  	_ =	shalt  }
0x74: {  	_ =	shalt  }
0x75: {  	_ =	shalt  }
0x76: {  	_ =	shalt  }
0x77: {  	_ =	shalt  }
0x78: {  	_ =	shalt  }
0x79: {  	_ =	shalt  }
0x7a: {  	_ =	shalt  }
0x7b: {  	_ =	shalt  }
0x7c: {  	_ =	shalt  }
0x7d: {  	_ =	shalt  }
0x7e: {  	_ =	shalt  }
0x7f: {  	_ =	shalt  }
0x80: {  	_ =	shalt  }
0x81: {  	_ =	shalt  }
0x82: {  	_ =	shalt  }
0x83: {  	_ =	shalt  }
0x84: {  	_ =	shalt  }
0x85: {  	_ =	shalt  }
0x86: {  	_ =	shalt  }
0x87: {  	_ =	shalt  }
.Lfunc_end0:
.L_simem_size_0:
called_computation.1_lowered:
.L_overlay_start_0:
0x88: {  	s2 =	sld [smem:$0x3FD9]  }
0x89: {  	s3 =	sld [smem:$0x3FFE];
	_ =	sdelay $0x1  }
0x8a: {  	s1 =	srdreg.scid  }
0x8b: {  	s0 =	sand.u32 $0x1, s1  }
0x8c: {  	s17 =	sshll.u32 s0, $0xA;
	s2 =	sadd.s32 s3, s2  }
0x8d: {  	s2 =	sadd.s32 s2, s17  }
0x8e: {  	[smem:$0x3FC1] =	sst s2  }
0x8f: {  	_ = 	snop  }
0x90: {  	s2 =	sld [smem:$0x3FD0];
	(tm) =	ssettm $0x1  }
0x91: {  	s18 =	sld [smem:$0x3FFB];
	_ =	sdelay $0x3  }
0x92: {  	_ =	strace s18  }
0x93: {  	s3 =	sld [smem:$0x3FFC];
	_ =	sdelay $0x3  }
0x94: {  	_ =	strace s3  }
0x95: {  	s3 =	sld [smem:$0x3FFD];
	_ =	sdelay $0x3  }
0x96: {  	_ =	strace s3  }
0x97: {  	_ =	strace $0x8FFFFFFF  }
0x98: {  	s19 =	sld [smem:$0x3FDB];
	_ =	sdelay $0x1  }
0x99: {  	s4 =	simm.s32 $_scs_section_size  }
0x9a: {  	s5 =	simm.s32 $_size__tile_overlayer_lowered;
	s6 =	simm.s32 $_tile_overlayer_lowered  }
0x9b: {  	s22 =	simm.s32 $0x1BFF;
	s21 =	sshll.u32 s6, $0x1;
	s3 =	sadd.s32 s4, s19  }
0x9c: {  	s7 =	simm.s32 $0x0;
	s20 =	sshll.u32 s5, $0x1;
	s5 =	sadd.s32 s21, s3  }
0x9d: {  	[timem:s7], [sflag:s22] =	dma.local [hbm:s5], s20  }
0x9e: {  	_ =	swait.ge [sflag:s22], s20  }
0x9f: {  	s4 =	ssub.s32 $0x0, s20;
	[sflag:s22] =	ssyncset.done $0x0  }
0xa0: {  	[sflag:s22] =	ssyncadd.s32 s4;
	_ =	sdelay $0x1  }
0xa1: {  	s23 =	simm.s32 $0x1B8B  }
0xa2: {  	_ =	swait.ge [sflag:s23], $0x1  }
0xa3: {  	[sflag:s23] =	ssyncset.done $0x0  }
0xa4: {  	s25 =	simm.s32 $0x1B8E;
	s24 =	sld [smem:$0x3FFE];
	[sflag:s23] =	ssyncadd.s32 $0xFFFFFFFF  }
0xa5: {  	s26 =	simm.s32 $execute0_lowered;
	[smem:$0x3FD2] =	sst s25  }
0xa6: {  	s5 =	sshll.u32 s26, $0x1;
	_ =	strace $0x80000049;
	[dreg:$0x1] =	wrdreg $0xFFFFFFFF  }
0xa7: {  	s28 =	simm.s32 $_size_execute0_lowered;
	s3 =	sadd.s32 s3, s5;
	[dreg:$0x0] =	wrdreg $0x0  }
0xa8: {  	s5 =	sshll.u32 s28, $0x1;
	[dreg:$0x2] =	wrdreg s3  }
0xa9: {  	[dreg:$0x3] =	wrdreg s5  }
0xaa: {  	[dreg:$0x4] =	wrdreg $0xC0  }
0xab: {  	_ =	task [dreg:s7], $0x5FFFF  }
0xac: {  	[dreg:$0x1] =	wrdreg $0xFFFFFFFF  }
0xad: {  	[dreg:$0x0] =	wrdreg $0x60  }
0xae: {  	[dreg:$0x2] =	wrdreg s24  }
0xaf: {  	[dreg:$0x3] =	wrdreg s2  }
0xb0: {  	[dreg:$0x4] =	wrdreg $0x9  }
0xb1: {  	_ =	task.clear_ibuf [dreg:s7], $0x5FFFF;
	_ =	strace $0x90000049  }
0xb2: {  	s29 =	simm.s32 $0x9;
	_ =	strace $0x8000004B  }
0xb3: {  	_ =	swait.ge [sflag:s29], $0x1  }
0xb4: {  	[sflag:s29] =	ssyncadd.s32 $0xFFFFFFFF  }
0xb5: {  	_ =	strace $0x9000004B  }
0xb6: {  	_ =	sfence  }
0xb7: {  	s30 =	sld [smem:$0x0];
	_ =	sdelay $0x2  }
0xb8: {  	s31 =	sshll.u32 s1, $0xD;
	s1 =	sshrl.u32 s1, $0x2  }
0xb9: {  	s3 =	sand.u32 $0x4000, s31;
	s1 =	sadd.s32 s1, s30  }
0xba: {  	s0 =	sor.u32 s3, s0;
	s1 =	sshll.u32 s1, $0x11  }
0xbb: {  	s0 =	sor.u32 s1, s0  }
0xbc: {  	s0 =	sadd.s32 $0x8F2B, s0  }
0xbd: {  	[sflag:s0] =	ssyncadd.remote.s32 $0x1  }
0xbe: {  	_ =	sfence.sel $0xFFFF  }
0xbf: {  	[dreg:$0x0] =	wrdreg $0xFFFFFFFF;
	(pc) =	sbr.abs _section_cstart, $3  }
0xc0: {  	[dreg:$0x1] =	wrdreg $0xFFFFFFFF  }
0xc1: {  	_ =	task.clear_ibuf [dreg:s7], $0x2FFFF;
	_ =	strace $0x9FFFFFFF  }
0xc2: {  	(tm) =	ssettm $0x7FFFFFFF  }
0xc3: {  	_ =	shalt  }
tec
execute0_lowered:
.L_overlay_start_1:
0x0: {  	(tag) =	ssettag $0x1  }
0x1: {  	s0 =	rddreg [dreg:$0x0];
	s2 =	srdreg.scid  }
0x2: {  	s3 =	rddreg [dreg:$0x1];
	s4 =	sand.u32 $0x1, s2;
	s2 =	simm.s32 $0x0  }
0x3: {  	s23 =	simm.s32 $0x80;
	[smem:$0x7FF] =	sst s2  }
0x4: {  	s24 =	simm.s32 $0x900;
	_ =	strace $0x8000004A;
	[dreg:$0x7] =	wrdreg s23  }
0x5: {  	s25 =	simm.s32 $0x1100;
	[dreg:$0x8] =	wrdreg s24  }
0x6: {  	s1 =	stileid.u32;
	s26 =	simm.s32 $0x1900;
	[dreg:$0x9] =	wrdreg s25  }
0x7: {  	s5 =	sshll.u32 s1, $0x4;
	s1 =	simm.s32 $0x2100;
	[dreg:$0xa] =	wrdreg s26  }
0x8: {  	s8 =	simm.s32 $0x4100;
	[dreg:$0xb] =	wrdreg s1  }
0x9: {  	s9 =	simm.s32 $0x4900;
	[dreg:$0xf] =	wrdreg s8  }
0xa: {  	s10 =	simm.s32 $0x5100;
	[dreg:$0x10] =	wrdreg s9  }
0xb: {  	s11 =	simm.s32 $0x5900;
	[dreg:$0x11] =	wrdreg s10  }
0xc: {  	s12 =	simm.s32 $0x6100;
	[dreg:$0x12] =	wrdreg s11  }
0xd: {  	s13 =	simm.s32 $0x6900;
	[dreg:$0x13] =	wrdreg s12  }
0xe: {  	s14 =	simm.s32 $0x7100;
	s15 =	simm.s32 $0x7900;
	[dreg:$0x14] =	wrdreg s13  }
0xf: {  	s16 =	simm.s32 $0x8100;
	s17 =	simm.s32 $0x8900;
	[dreg:$0x15] =	wrdreg s14  }
0x10: {  	s18 =	simm.s32 $0x9100;
	s20 =	simm.s32 $0x9900;
	[dreg:$0x16] =	wrdreg s15  }
0x11: {  	s28 =	simm.s32 $0x16100;
	s29 =	simm.s32 $0x16900;
	[dreg:$0x17] =	wrdreg s16  }
0x12: {  	s30 =	simm.s32 $0x17100;
	s31 =	simm.s32 $0x17900;
	[dreg:$0x18] =	wrdreg s17  }
0x13: {  	s6 =	sshll.u32 s4, $0x3;
	s4 =	ssub.s32 $0x2, s4;
	[dreg:$0x19] =	wrdreg s18  }
0x14: {  	s5 =	sor.u32 s6, s5;
	s19 =	sshrl.u32 s4, $0x1;
	[dreg:$0x1a] =	wrdreg s20  }
0x15: {  	s23 =	simm.s32 $0xB100;
	s24 =	simm.s32 $0xB900;
	s25 =	simm.s32 $0xC900  }
0x16: {  	s8 =	simm.s32 $0x100;
	s26 =	simm.s32 $0xD100;
	s9 =	simm.s32 $0xC100  }
0x17: {  	s11 =	simm.s32 $0xE100;
	s12 =	simm.s32 $0xE900;
	s13 =	simm.s32 $0xF100  }
0x18: {  	s14 =	simm.s32 $0xF900;
	s15 =	simm.s32 $0x10100;
	[dreg:$0x1d] =	wrdreg s23  }
0x19: {  	s16 =	simm.s32 $0x10900;
	s17 =	simm.s32 $0x11100;
	[dreg:$0x1e] =	wrdreg s24  }
0x1a: {  	s18 =	simm.s32 $0x11900;
	s6 =	sadd.s32 s5, s0;
	[dreg:$0x1f] =	wrdreg s25  }
0x1b: {  	s5 =	smul.u32 $0x300, s5;
	[smem:$0x7FD] =	sst s26;
	s7 =	sadd.s32 $0x229200, s6  }
0x1c: {  	s20 =	simm.s32 $0x12900;
	s6 =	sadd.s32 $0x79000, s6;
	[dreg:$0x3] =	wrdreg s7  }
0x1d: {  	s23 =	simm.s32 $0x14100;
	[dreg:$0x4] =	wrdreg s6;
	s3 =	sadd.s32 s3, s5  }
0x1e: {  	s21 =	sadd.s32 s5, s0;
	s5 =	simm.s32 $0x2900;
	[dreg:$0x5] =	wrdreg s3  }
0x1f: {  	s24 =	simm.s32 $0x14900;
	s6 =	simm.s32 $0x3100;
	[dreg:$0xc] =	wrdreg s5  }
0x20: {  	s25 =	simm.s32 $0x15100;
	s7 =	simm.s32 $0x3900;
	[dreg:$0xd] =	wrdreg s6  }
0x21: {  	s26 =	simm.s32 $0x15900;
	s22 =	sadd.s32 $0x79200, s21;
	[dreg:$0xe] =	wrdreg s7  }
0x22: {  	s3 =	sadd.s32 $0x1000, s0;
	s6 =	ssub.s32 s4, s19;
	s21 =	simm.s32 $0xA100  }
0x23: {  	s4 =	sadd.s32 $0x1100, s0;
	s5 =	sadd.s32 $0x1200, s0;
	s7 =	simm.s32 $0x2  }
0x24: {  	v2 =	vlaneseq.u32;
	s19 =	simm.s32 $0x12100;
	s0 =	simm.s32 $0x1;
	[dreg:$0x6] =	wrdreg s22  }
0x25: {  	vm0 =	vmmov $0xffff;
	v1 =	vshrl.u32 v2, $0x3;
	[dreg:$0x1b] =	wrdreg s21;
	s22 =	simm.s32 $0xA900;
	s6 =	smax.u32 s6, $0x1  }
0x26: {  	v0 =	vand.u32 $0x7, v2;
	v2 =	vor.u32 $0x8, v2;
	v1 =	vmul.u32 $0x8, v1;
	s21 =	simm.s32 $0x13100;
	[dreg:$0x1c] =	wrdreg s22;
	s22 =	simm.s32 $0x13900  }
.LBB2_1:
0x27: {  	s1 =	rddreg [dreg:$0x3]  }
0x28: {  	[tilespmem:s2], [sflag:$0x2] =	stream.linear.gather [hbm4b:s1+s2], $0x40, $0x38;
	[tilespmem:$0x18100] =	vst v63  }
0x29: {  	_ =	swait.ge [sflag:s7], $0x40  }
0x2a: {  	s1 =	rddreg [dreg:$0x4];
	[sflag:s7] =	ssyncset.done $0x0  }
0x2b: {  	s10 =	rddreg [dreg:$0x7];
	[sflag:s7] =	ssyncadd.s32 $0xFFFFFFC0  }
0x2c: {  	[tilespmem:s10], [sflag:$0x2] =	stream.linear.gather [hbm4b:s1+s2], $0x40, $0x38;
	[tilespmem:$0x18100] =	vst v63  }
0x2d: {  	_ =	swait.ge [sflag:s7], $0x40  }
0x2e: {  	[sflag:s7] =	ssyncset.done $0x0  }
0x2f: {  	[sflag:s7] =	ssyncadd.s32 $0xFFFFFFC0  }
0x30: {  	v3 =	vld [tilespmem:$0x0];
	_ =	sdelay $0x4  }
0x31: {  	v4 =	vshrl.u32 v3, $0x3  }
0x32: {  	v4 =	vmul.u32 $0x30, v4  }
0x33: {  	v3 =	vand.u32 $0x7, v3  }
0x34: {  	v3 =	vor.u32 v3, v4  }
0x35: {  	v4 =	vperm.xlane v3, v0;
	_ =	sdelay $0x1  }
0x36: {  	v4 =	vadd.s32 v1, v4;
	_ =	sdelay $0x3  }
0x37: {  	v3 =	vperm.xlane v3, v2  }
0x38: {  	[tilespmem:s8], [sflag:$0x1] =	stream.indirect_vreg.gather [hbm4b:s3+s2], $0x80, v4, vm0, $0xb8;
	[tilespmem:$0x18100] =	vst v63  }
0x39: {  	s1 =	rddreg [dreg:$0x8];
	v3 =	vadd.s32 v1, v3  }
0x3a: {  	[tilespmem:s1], [sflag:$0x1] =	stream.indirect_vreg.gather [hbm4b:s4+s2], $0x80, v4, vm0, $0xb8;
	[tilespmem:$0x18100] =	vst v63  }
0x3b: {  	s10 =	rddreg [dreg:$0x9]  }
0x3c: {  	[tilespmem:s10], [sflag:$0x1] =	stream.indirect_vreg.gather [hbm4b:s5+s2], $0x80, v4, vm0, $0xb8;
	[tilespmem:$0x18100] =	vst v63  }
0x3d: {  	s1 =	rddreg [dreg:$0xa]  }
0x3e: {  	[tilespmem:s1], [sflag:$0x1] =	stream.indirect_vreg.gather [hbm4b:s3+s2], $0x80, v3, vm0, $0xb8;
	[tilespmem:$0x18100] =	vst v63  }
0x3f: {  	s10 =	rddreg [dreg:$0xb]  }
0x40: {  	[tilespmem:s10], [sflag:$0x1] =	stream.indirect_vreg.gather [hbm4b:s4+s2], $0x80, v3, vm0, $0xb8;
	[tilespmem:$0x18100] =	vst v63  }
0x41: {  	s1 =	rddreg [dreg:$0xc]  }
0x42: {  	[tilespmem:s1], [sflag:$0x1] =	stream.indirect_vreg.gather [hbm4b:s5+s2], $0x80, v3, vm0, $0xb8;
	[tilespmem:$0x18100] =	vst v63  }
0x43: {  	v3 =	vld [tilespmem:$0x10];
	_ =	sdelay $0x4  }
0x44: {  	v57 =	vshrl.u32 v3, $0x3  }
0x45: {  	v4 =	vmul.u32 $0x30, v57  }
0x46: {  	v3 =	vand.u32 $0x7, v3  }
0x47: {  	v3 =	vor.u32 v3, v4  }
0x48: {  	v4 =	vperm.xlane v3, v0;
	_ =	sdelay $0x1  }
0x49: {  	v4 =	vadd.s32 v1, v4;
	_ =	sdelay $0x3  }
0x4a: {  	s1 =	rddreg [dreg:$0xd];
	v3 =	vperm.xlane v3, v2  }
0x4b: {  	[tilespmem:s1], [sflag:$0x1] =	stream.indirect_vreg.gather [hbm4b:s3+s2], $0x80, v4, vm0, $0xb8;
	[tilespmem:$0x18100] =	vst v63  }
0x4c: {  	s10 =	rddreg [dreg:$0xe];
	v3 =	vadd.s32 v1, v3  }
0x4d: {  	[tilespmem:s10], [sflag:$0x1] =	stream.indirect_vreg.gather [hbm4b:s4+s2], $0x80, v4, vm0, $0xb8;
	[tilespmem:$0x18100] =	vst v63  }
0x4e: {  	s1 =	rddreg [dreg:$0xf]  }
0x4f: {  	[tilespmem:s1], [sflag:$0x1] =	stream.indirect_vreg.gather [hbm4b:s5+s2], $0x80, v4, vm0, $0xb8;
	[tilespmem:$0x18100] =	vst v63  }
0x50: {  	s10 =	rddreg [dreg:$0x10]  }
0x51: {  	[tilespmem:s10], [sflag:$0x1] =	stream.indirect_vreg.gather [hbm4b:s3+s2], $0x80, v3, vm0, $0xb8;
	[tilespmem:$0x18100] =	vst v63  }
0x52: {  	s1 =	rddreg [dreg:$0x11]  }
0x53: {  	[tilespmem:s1], [sflag:$0x1] =	stream.indirect_vreg.gather [hbm4b:s4+s2], $0x80, v3, vm0, $0xb8;
	[tilespmem:$0x18100] =	vst v63  }
0x54: {  	s10 =	rddreg [dreg:$0x12]  }
0x55: {  	[tilespmem:s10], [sflag:$0x1] =	stream.indirect_vreg.gather [hbm4b:s5+s2], $0x80, v3, vm0, $0xb8;
	[tilespmem:$0x18100] =	vst v63  }
0x56: {  	v3 =	vld [tilespmem:$0x20];
	_ =	sdelay $0x4  }
0x57: {  	v58 =	vshrl.u32 v3, $0x3  }
0x58: {  	v4 =	vmul.u32 $0x30, v58  }
0x59: {  	v3 =	vand.u32 $0x7, v3  }
0x5a: {  	v3 =	vor.u32 v3, v4  }
0x5b: {  	v4 =	vperm.xlane v3, v0;
	_ =	sdelay $0x1  }
0x5c: {  	v4 =	vadd.s32 v1, v4;
	_ =	sdelay $0x3  }
0x5d: {  	s1 =	rddreg [dreg:$0x13];
	v3 =	vperm.xlane v3, v2  }
0x5e: {  	[tilespmem:s1], [sflag:$0x1] =	stream.indirect_vreg.gather [hbm4b:s3+s2], $0x80, v4, vm0, $0xb8;
	[tilespmem:$0x18100] =	vst v63  }
0x5f: {  	s10 =	rddreg [dreg:$0x14];
	v3 =	vadd.s32 v1, v3  }
0x60: {  	[tilespmem:s10], [sflag:$0x1] =	stream.indirect_vreg.gather [hbm4b:s4+s2], $0x80, v4, vm0, $0xb8;
	[tilespmem:$0x18100] =	vst v63  }
0x61: {  	s1 =	rddreg [dreg:$0x15]  }
0x62: {  	[tilespmem:s1], [sflag:$0x1] =	stream.indirect_vreg.gather [hbm4b:s5+s2], $0x80, v4, vm0, $0xb8;
	[tilespmem:$0x18100] =	vst v63  }
0x63: {  	s10 =	rddreg [dreg:$0x16]  }
0x64: {  	[tilespmem:s10], [sflag:$0x1] =	stream.indirect_vreg.gather [hbm4b:s3+s2], $0x80, v3, vm0, $0xb8;
	[tilespmem:$0x18100] =	vst v63  }
0x65: {  	s1 =	rddreg [dreg:$0x17]  }
0x66: {  	[tilespmem:s1], [sflag:$0x1] =	stream.indirect_vreg.gather [hbm4b:s4+s2], $0x80, v3, vm0, $0xb8;
	[tilespmem:$0x18100] =	vst v63  }
0x67: {  	s10 =	rddreg [dreg:$0x18]  }
0x68: {  	[tilespmem:s10], [sflag:$0x1] =	stream.indirect_vreg.gather [hbm4b:s5+s2], $0x80, v3, vm0, $0xb8;
	[tilespmem:$0x18100] =	vst v63  }
0x69: {  	v3 =	vld [tilespmem:$0x30];
	_ =	sdelay $0x4  }
0x6a: {  	v59 =	vshrl.u32 v3, $0x3  }
0x6b: {  	v4 =	vmul.u32 $0x30, v59  }
0x6c: {  	v3 =	vand.u32 $0x7, v3  }
0x6d: {  	v3 =	vor.u32 v3, v4  }
0x6e: {  	v4 =	vperm.xlane v3, v0;
	_ =	sdelay $0x1  }
0x6f: {  	v4 =	vadd.s32 v1, v4;
	_ =	sdelay $0x3  }
0x70: {  	s1 =	rddreg [dreg:$0x19];
	v3 =	vperm.xlane v3, v2  }
0x71: {  	[tilespmem:s1], [sflag:$0x1] =	stream.indirect_vreg.gather [hbm4b:s3+s2], $0x80, v4, vm0, $0xb8;
	[tilespmem:$0x18100] =	vst v63  }
0x72: {  	s10 =	rddreg [dreg:$0x1a];
	v3 =	vadd.s32 v1, v3  }
0x73: {  	[tilespmem:s10], [sflag:$0x1] =	stream.indirect_vreg.gather [hbm4b:s4+s2], $0x80, v4, vm0, $0xb8;
	[tilespmem:$0x18100] =	vst v63  }
0x74: {  	s1 =	rddreg [dreg:$0x1b]  }
0x75: {  	[tilespmem:s1], [sflag:$0x1] =	stream.indirect_vreg.gather [hbm4b:s5+s2], $0x80, v4, vm0, $0xb8;
	[tilespmem:$0x18100] =	vst v63  }
0x76: {  	s10 =	rddreg [dreg:$0x1c]  }
0x77: {  	[tilespmem:s10], [sflag:$0x1] =	stream.indirect_vreg.gather [hbm4b:s3+s2], $0x80, v3, vm0, $0xb8;
	[tilespmem:$0x18100] =	vst v63  }
0x78: {  	s1 =	rddreg [dreg:$0x1d]  }
0x79: {  	[tilespmem:s1], [sflag:$0x1] =	stream.indirect_vreg.gather [hbm4b:s4+s2], $0x80, v3, vm0, $0xb8;
	[tilespmem:$0x18100] =	vst v63  }
0x7a: {  	s10 =	rddreg [dreg:$0x1e]  }
0x7b: {  	[tilespmem:s10], [sflag:$0x1] =	stream.indirect_vreg.gather [hbm4b:s5+s2], $0x80, v3, vm0, $0xb8;
	[tilespmem:$0x18100] =	vst v63  }
0x7c: {  	v3 =	vld [tilespmem:$0x80];
	_ =	sdelay $0x4  }
0x7d: {  	v60 =	vshrl.u32 v3, $0x3  }
0x7e: {  	v4 =	vmul.u32 $0x30, v60  }
0x7f: {  	v3 =	vand.u32 $0x7, v3  }
0x80: {  	v3 =	vor.u32 v3, v4  }
0x81: {  	v4 =	vperm.xlane v3, v0;
	_ =	sdelay $0x1  }
0x82: {  	v4 =	vadd.s32 v1, v4;
	_ =	sdelay $0x3  }
0x83: {  	s1 =	rddreg [dreg:$0x1f];
	v3 =	vperm.xlane v3, v2  }
0x84: {  	[tilespmem:s9], [sflag:$0x1] =	stream.indirect_vreg.gather [hbm4b:s3+s2], $0x80, v4, vm0, $0xb8;
	[tilespmem:$0x18100] =	vst v63  }
0x85: {  	s10 =	sld [smem:$0x7FD];
	v3 =	vadd.s32 v1, v3  }
0x86: {  	[tilespmem:s1], [sflag:$0x1] =	stream.indirect_vreg.gather [hbm4b:s4+s2], $0x80, v4, vm0, $0xb8;
	[tilespmem:$0x18100] =	vst v63  }
0x87: {  	_ = 	snop  }
0x88: {  	[tilespmem:s10], [sflag:$0x1] =	stream.indirect_vreg.gather [hbm4b:s5+s2], $0x80, v4, vm0, $0xb8;
	[tilespmem:$0x18100] =	vst v63  }
0x89: {  	s10 =	simm.s32 $0xD900  }
0x8a: {  	[tilespmem:s10], [sflag:$0x1] =	stream.indirect_vreg.gather [hbm4b:s3+s2], $0x80, v3, vm0, $0xb8;
	[tilespmem:$0x18100] =	vst v63  }
0x8b: {  	_ = 	snop  }
0x8c: {  	[tilespmem:s11], [sflag:$0x1] =	stream.indirect_vreg.gather [hbm4b:s4+s2], $0x80, v3, vm0, $0xb8;
	[tilespmem:$0x18100] =	vst v63  }
0x8d: {  	_ = 	snop  }
0x8e: {  	[tilespmem:s12], [sflag:$0x1] =	stream.indirect_vreg.gather [hbm4b:s5+s2], $0x80, v3, vm0, $0xb8;
	[tilespmem:$0x18100] =	vst v63  }
0x8f: {  	v3 =	vld [tilespmem:$0x90];
	_ =	sdelay $0x4  }
0x90: {  	v61 =	vshrl.u32 v3, $0x3  }
0x91: {  	v4 =	vmul.u32 $0x30, v61  }
0x92: {  	v3 =	vand.u32 $0x7, v3  }
0x93: {  	v3 =	vor.u32 v3, v4  }
0x94: {  	v4 =	vperm.xlane v3, v0;
	_ =	sdelay $0x1  }
0x95: {  	v4 =	vadd.s32 v1, v4;
	_ =	sdelay $0x3  }
0x96: {  	v3 =	vperm.xlane v3, v2  }
0x97: {  	[tilespmem:s13], [sflag:$0x1] =	stream.indirect_vreg.gather [hbm4b:s3+s2], $0x80, v4, vm0, $0xb8;
	[tilespmem:$0x18100] =	vst v63  }
0x98: {  	v3 =	vadd.s32 v1, v3  }
0x99: {  	[tilespmem:s14], [sflag:$0x1] =	stream.indirect_vreg.gather [hbm4b:s4+s2], $0x80, v4, vm0, $0xb8;
	[tilespmem:$0x18100] =	vst v63  }
0x9a: {  	_ = 	snop  }
0x9b: {  	[tilespmem:s15], [sflag:$0x1] =	stream.indirect_vreg.gather [hbm4b:s5+s2], $0x80, v4, vm0, $0xb8;
	[tilespmem:$0x18100] =	vst v63  }
0x9c: {  	_ = 	snop  }
0x9d: {  	[tilespmem:s16], [sflag:$0x1] =	stream.indirect_vreg.gather [hbm4b:s3+s2], $0x80, v3, vm0, $0xb8;
	[tilespmem:$0x18100] =	vst v63  }
0x9e: {  	_ = 	snop  }
0x9f: {  	[tilespmem:s17], [sflag:$0x1] =	stream.indirect_vreg.gather [hbm4b:s4+s2], $0x80, v3, vm0, $0xb8;
	[tilespmem:$0x18100] =	vst v63  }
0xa0: {  	_ = 	snop  }
0xa1: {  	[tilespmem:s18], [sflag:$0x1] =	stream.indirect_vreg.gather [hbm4b:s5+s2], $0x80, v3, vm0, $0xb8;
	[tilespmem:$0x18100] =	vst v63  }
0xa2: {  	v3 =	vld [tilespmem:$0xA0];
	_ =	sdelay $0x4  }
0xa3: {  	v62 =	vshrl.u32 v3, $0x3  }
0xa4: {  	v4 =	vmul.u32 $0x30, v62  }
0xa5: {  	v3 =	vand.u32 $0x7, v3  }
0xa6: {  	v3 =	vor.u32 v3, v4  }
0xa7: {  	v4 =	vperm.xlane v3, v0;
	_ =	sdelay $0x1  }
0xa8: {  	v4 =	vadd.s32 v1, v4;
	_ =	sdelay $0x3  }
0xa9: {  	v3 =	vperm.xlane v3, v2  }
0xaa: {  	[tilespmem:s19], [sflag:$0x1] =	stream.indirect_vreg.gather [hbm4b:s3+s2], $0x80, v4, vm0, $0xb8;
	[tilespmem:$0x18100] =	vst v63  }
0xab: {  	v3 =	vadd.s32 v1, v3  }
0xac: {  	[tilespmem:s20], [sflag:$0x1] =	stream.indirect_vreg.gather [hbm4b:s4+s2], $0x80, v4, vm0, $0xb8;
	[tilespmem:$0x18100] =	vst v63  }
0xad: {  	_ = 	snop  }
0xae: {  	[tilespmem:s21], [sflag:$0x1] =	stream.indirect_vreg.gather [hbm4b:s5+s2], $0x80, v4, vm0, $0xb8;
	[tilespmem:$0x18100] =	vst v63  }
0xaf: {  	_ = 	snop  }
0xb0: {  	[tilespmem:s22], [sflag:$0x1] =	stream.indirect_vreg.gather [hbm4b:s3+s2], $0x80, v3, vm0, $0xb8;
	[tilespmem:$0x18100] =	vst v63  }
0xb1: {  	_ = 	snop  }
0xb2: {  	[tilespmem:s23], [sflag:$0x1] =	stream.indirect_vreg.gather [hbm4b:s4+s2], $0x80, v3, vm0, $0xb8;
	[tilespmem:$0x18100] =	vst v63  }
0xb3: {  	_ = 	snop  }
0xb4: {  	[tilespmem:s24], [sflag:$0x1] =	stream.indirect_vreg.gather [hbm4b:s5+s2], $0x80, v3, vm0, $0xb8;
	[tilespmem:$0x18100] =	vst v63  }
0xb5: {  	v3 =	vld [tilespmem:$0xB0];
	_ =	sdelay $0x4  }
0xb6: {  	v63 =	vshrl.u32 v3, $0x3  }
0xb7: {  	v4 =	vmul.u32 $0x30, v63  }
0xb8: {  	v3 =	vand.u32 $0x7, v3  }
0xb9: {  	v3 =	vor.u32 v3, v4  }
0xba: {  	v4 =	vperm.xlane v3, v0;
	_ =	sdelay $0x1  }
0xbb: {  	v4 =	vadd.s32 v1, v4;
	_ =	sdelay $0x3  }
0xbc: {  	v3 =	vperm.xlane v3, v2  }
0xbd: {  	[tilespmem:s25], [sflag:$0x1] =	stream.indirect_vreg.gather [hbm4b:s3+s2], $0x80, v4, vm0, $0xb8;
	[tilespmem:$0x18100] =	vst v63  }
0xbe: {  	v3 =	vadd.s32 v1, v3  }
0xbf: {  	[tilespmem:s26], [sflag:$0x1] =	stream.indirect_vreg.gather [hbm4b:s4+s2], $0x80, v4, vm0, $0xb8;
	[tilespmem:$0x18100] =	vst v63  }
0xc0: {  	_ = 	snop  }
0xc1: {  	[tilespmem:s28], [sflag:$0x1] =	stream.indirect_vreg.gather [hbm4b:s5+s2], $0x80, v4, vm0, $0xb8;
	[tilespmem:$0x18100] =	vst v63  }
0xc2: {  	_ = 	snop  }
0xc3: {  	[tilespmem:s29], [sflag:$0x1] =	stream.indirect_vreg.gather [hbm4b:s3+s2], $0x80, v3, vm0, $0xb8;
	[tilespmem:$0x18100] =	vst v63  }
0xc4: {  	_ = 	snop  }
0xc5: {  	[tilespmem:s30], [sflag:$0x1] =	stream.indirect_vreg.gather [hbm4b:s4+s2], $0x80, v3, vm0, $0xb8;
	[tilespmem:$0x18100] =	vst v63  }
0xc6: {  	_ = 	snop  }
0xc7: {  	[tilespmem:s31], [sflag:$0x1] =	stream.indirect_vreg.gather [hbm4b:s5+s2], $0x80, v3, vm0, $0xb8;
	[tilespmem:$0x18100] =	vst v63  }
0xc8: {  	_ =	swait.ge [sflag:s0], $0xC000  }
0xc9: {  	[sflag:s0] =	ssyncset.done $0x0  }
0xca: {  	[sflag:s0] =	ssyncadd.s32 $0xFFFF4000  }
0xcb: {  	_ =	swait.ge [sflag:s0], $0xC000  }
0xcc: {  	[sflag:s0] =	ssyncset.done $0x0  }
0xcd: {  	s10 =	rddreg [dreg:$0x5];
	[sflag:s0] =	ssyncadd.s32 $0xFFFF4000  }
0xce: {  	[hbm4b:s10+s2] =	stream.linear.scatter [tilespmem:s8], [sflag:$0x2], $0xC000, $0x38;
	[tilespmem:$0x18100] =	vst v63  }
0xcf: {  	_ =	swait.ge [sflag:s7], $0xC000  }
0xd0: {  	p0 =	sne.s32 s6, $0x1;
	[sflag:s7] =	ssyncset.done $0x0  }
.Ltmp0:
0xd1: {  	s10 =	rddreg [dreg:$0x6];
	[sflag:s7] =	ssyncadd.s32 $0xFFFF4000;
	(pc) =	sbr.rel @p0 .LBB2_1-.Ltmp0, $4  }
0xd2: {  	[hbm4b:s10+s2] =	stream.linear.scatter [tilespmem:s9], [sflag:$0x2], $0xC000, $0x38;
	[tilespmem:$0x18100] =	vst v63  }
0xd3: {  	_ =	swait.ge [sflag:s7], $0xC000  }
0xd4: {  	[sflag:s7] =	ssyncset.done $0x0  }
0xd5: {  	s6 =	sadd.s32 $0xFFFFFFFF, s6;
	[sflag:s7] =	ssyncadd.s32 $0xFFFF4000  }
0xd6: {  	_ =	sfence.sel $0x180000  }
0xd7: {  	[bflag:$0x0] =	sbarrier.arrive $0xFFFF  }
0xd8: {  	_ =	strace $0x9000004A  }
0xd9: {  	s0 =	stileid.u32;
	[bflag:$0x2] =	sbarrier.arrive $0xFFFF  }
0xda: {  	p0 =	sne.s32 s0, $0x0;
	s0 =	rddreg [dreg:$0x2]  }
0xdb: {  	s0 =	sadd.s32 @!p0 $0x100000, s0  }
0xdc: {  	[sflag:s0] =	ssyncadd.tile.s32 @!p0 $0x1;
	_ =	shalt  }
.Lfunc_end2:
_tile_overlayer_lowered:
.L_overlay_start_2:
0xdd: {  	(tag) =	ssettag $0x2  }
0xde: {  	s0 =	rddreg [dreg:$0x0];
	s2 =	stileid.u32  }
0xdf: {  	s1 =	rddreg [dreg:$0x1];
	p0 =	sne.s32 s2, $0x0  }
0xe0: {  	s3 =	rddreg [dreg:$0x2];
	[bflag:$0x3] =	sbarrier.arrive $0xFFFF;
	s2 =	simm.s32 @!p0 $0x1C02  }
0xe1: {  	[timem:s3], [sflag:s2] =	dma.local @!p0 [hbm:s0], s1  }
0xe2: {  	s0 =	simm.s32 @!p0 $0x2  }
0xe3: {  	_ =	swait.ge @!p0 [sflag:s0], s1  }
0xe4: {  	s1 =	ssub.s32 @!p0 $0x0, s1;
	[sflag:s0] =	ssyncset.done @!p0 $0x0  }
0xe5: {  	[sflag:s0] =	ssyncadd.s32 @!p0 s1  }
0xe6: {  	[bflag:$0x3] =	sbarrier.arrive $0xFFFF  }
0xe7: {  	_ =	shalt  }

// kernel: kernel.7.cloned.1.call-start
scs
__scs_entry_jumppad:
0x0: {  	(pc) =	sbr.rel $0x88, $3  }
0x1: {  	(tag) =	ssettag $0x0;
	lr =	simm.s32 $0x1  }
0x2: {  	[smem:$0x3F9A] =	sst lr;
	_ =	strace $0xD0000000  }
0x3: {  	_ = 	snop  }
0x4: {  	_ = 	snop  }
0x5: {  	_ = 	snop  }
0x6: {  	_ = 	snop  }
0x7: {  	_ = 	snop  }
__scs_overlays_trampoline_lowered:
0x8: {  	[smem:$0x3FA9] =	sst s0  }
0x9: {  	[smem:$0x3FAA] =	sst s1  }
0xa: {  	[smem:$0x3FAB] =	sst s2  }
0xb: {  	[smem:$0x3FAC] =	sst s3  }
0xc: {  	[smem:$0x3FAD] =	sst s4  }
0xd: {  	[smem:$0x3FAE] =	sst s5  }
0xe: {  	[smem:$0x3FAF] =	sst s6  }
0xf: {  	[smem:$0x3FB0] =	sst s7  }
0x10: {  	[smem:$0x3FB1] =	sst s8  }
0x11: {  	[smem:$0x3FB2] =	sst s9;
	s0 =	simm.s32 @!p0 $0x0  }
0x12: {  	s1 =	sld [smem:$0x3F98];
	s0 =	simm.s32 @p0 $0x1  }
0x13: {  	[smem:$0x3FB3] =	sst s0;
	s0 =	simm.s32 @!p1 $0x0  }
0x14: {  	s2 =	sld [smem:$0x3F97];
	s0 =	simm.s32 @p1 $0x1  }
0x15: {  	[smem:$0x3FB4] =	sst s0;
	s0 =	simm.s32 @!p2 $0x0  }
0x16: {  	s3 =	sld [smem:$0x3FDB];
	s0 =	simm.s32 @p2 $0x1  }
0x17: {  	s4 =	simm.s32 $0x1BF5;
	[smem:$0x3FB6] =	sst s0  }
0x18: {  	s0 =	sld [smem:$0x3F99];
	_ =	swait.ge [sflag:s4], $0x0  }
0x19: {  	s7 =	sld [smem:$0x3F9A]  }
0x1a: {  	s8 =	sadd.s32 $0xFFFFE003, lr  }
0x1b: {  	s9 =	sadd.s32 $0xFFFFFEF7, lr;
	s5 =	simm.s32 $0xFFFFFFFF;
	p2 =	slt.u32 s8, $0xFFFFF086  }
0x1c: {  	p1 =	slt.u32 s9, $0xF7A;
	s5 =	simm.s32 @!p2 $0x0  }
0x1d: {  	s5 =	simm.s32 @p1 $0x1;
	p0 =	seq.s32 s7, s2  }
0x1e: {  	s7 =	smul.u32 @!p0 $0xF7A, s2;
	p2 =	seq.s32 @!p0 s5, $0x0  }
0x1f: {  	s9 =	smul.u32 $0xF7A, s1;
	s8 =	simm.s32 @!p0 $0x1BF5;
	p2 =	por !p2, p0  }
0x20: {  	[sflag:s8] =	ssyncset.s32 @!p0 $0xFFFFF086;
	s6 =	sadd.s32 @!p0 s3, s7;
	s7 =	simm.s32 @!p0 $0x108  }
0x21: {  	s3 =	sadd.s32 s3, s9;
	s6 =	sadd.s32 @!p0 $0x88, s6;
	s7 =	simm.s32 @p2 $0x1082  }
0x22: {  	[simem:s7], [sflag:s8] =	dma.local @!p0 [hbm:s6], $0xF7A  }
0x23: {  	s9 =	sor.u32 $0xD0000000, s2;
	s6 =	simm.s32 $0x108;
	_ =	swait.ge @!p0 [sflag:s8], $0x0  }
0x24: {  	s3 =	sadd.s32 $0x88, s3;
	s6 =	simm.s32 @!p1 $0x1082;
	[sflag:s4] =	ssyncset.s32 $0xFFFFF086  }
0x25: {  	[simem:s6], [sflag:s4] =	dma.local [hbm:s3], $0xF7A  }
0x26: {  	[smem:$0x3F9A] =	sst s1;
	(tag) =	ssettag s2;
	_ =	strace s9  }
0x27: {  	s1 =	sld [smem:$0x3FAA]  }
0x28: {  	s2 =	sld [smem:$0x3FAB]  }
0x29: {  	s4 =	sld [smem:$0x3FAD]  }
0x2a: {  	p0 =	seq.s32 s5, $0x0;
	s5 =	sld [smem:$0x3FAE]  }
0x2b: {  	s6 =	sld [smem:$0x3FAF]  }
0x2c: {  	s7 =	sld [smem:$0x3FB0]  }
0x2d: {  	s3 =	simm.s32 $0x108;
	s8 =	sld [smem:$0x3FB1]  }
0x2e: {  	s3 =	simm.s32 @!p0 $0x1082;
	s9 =	sld [smem:$0x3FB2]  }
0x2f: {  	lr =	sadd.s32 s0, s3;
	s0 =	sld [smem:$0x3FA9]  }
0x30: {  	s3 =	sld [smem:$0x3FAC]  }
0x31: {  	[smem:$0x3FB5] =	sst s10  }
0x32: {  	s10 =	sld [smem:$0x3FB3];
	_ =	sdelay $0x3  }
0x33: {  	p0 =	seq.s32 s10, $0x1;
	s10 =	sld [smem:$0x3FB5];
	_ =	sdelay $0x3  }
0x34: {  	[smem:$0x3FB5] =	sst s10  }
0x35: {  	s10 =	sld [smem:$0x3FB4];
	_ =	sdelay $0x3  }
0x36: {  	p1 =	seq.s32 s10, $0x1;
	s10 =	sld [smem:$0x3FB5];
	_ =	sdelay $0x3  }
0x37: {  	[smem:$0x3FB5] =	sst s10  }
0x38: {  	s10 =	sld [smem:$0x3FB6]  }
0x39: {  	_ = 	snop;
	(pc) =	sbr.ind lr, $3  }
0x3a: {  	_ = 	snop  }
0x3b: {  	_ = 	snop  }
0x3c: {  	p2 =	seq.s32 s10, $0x1;
	s10 =	sld [smem:$0x3FB5]  }
0x3d: {  	_ =	shalt  }
0x3e: {  	_ =	shalt  }
0x3f: {  	_ =	shalt  }
0x40: {  	_ =	shalt  }
0x41: {  	_ =	shalt  }
0x42: {  	_ =	shalt  }
0x43: {  	_ =	shalt  }
0x44: {  	_ =	shalt  }
0x45: {  	_ =	shalt  }
0x46: {  	_ =	shalt  }
0x47: {  	_ =	shalt  }
0x48: {  	_ =	shalt  }
0x49: {  	_ =	shalt  }
0x4a: {  	_ =	shalt  }
0x4b: {  	_ =	shalt  }
0x4c: {  	_ =	shalt  }
0x4d: {  	_ =	shalt  }
0x4e: {  	_ =	shalt  }
0x4f: {  	_ =	shalt  }
0x50: {  	_ =	shalt  }
0x51: {  	_ =	shalt  }
0x52: {  	_ =	shalt  }
0x53: {  	_ =	shalt  }
0x54: {  	_ =	shalt  }
0x55: {  	_ =	shalt  }
0x56: {  	_ =	shalt  }
0x57: {  	_ =	shalt  }
0x58: {  	_ =	shalt  }
0x59: {  	_ =	shalt  }
0x5a: {  	_ =	shalt  }
0x5b: {  	_ =	shalt  }
0x5c: {  	_ =	shalt  }
0x5d: {  	_ =	shalt  }
0x5e: {  	_ =	shalt  }
0x5f: {  	_ =	shalt  }
0x60: {  	_ =	shalt  }
0x61: {  	_ =	shalt  }
0x62: {  	_ =	shalt  }
0x63: {  	_ =	shalt  }
0x64: {  	_ =	shalt  }
0x65: {  	_ =	shalt  }
0x66: {  	_ =	shalt  }
0x67: {  	_ =	shalt  }
0x68: {  	_ =	shalt  }
0x69: {  	_ =	shalt  }
0x6a: {  	_ =	shalt  }
0x6b: {  	_ =	shalt  }
0x6c: {  	_ =	shalt  }
0x6d: {  	_ =	shalt  }
0x6e: {  	_ =	shalt  }
0x6f: {  	_ =	shalt  }
0x70: {  	_ =	shalt  }
0x71: {  	_ =	shalt  }
0x72: {  	_ =	shalt  }
0x73: {  	_ =	shalt  }
0x74: {  	_ =	shalt  }
0x75: {  	_ =	shalt  }
0x76: {  	_ =	shalt  }
0x77: {  	_ =	shalt  }
0x78: {  	_ =	shalt  }
0x79: {  	_ =	shalt  }
0x7a: {  	_ =	shalt  }
0x7b: {  	_ =	shalt  }
0x7c: {  	_ =	shalt  }
0x7d: {  	_ =	shalt  }
0x7e: {  	_ =	shalt  }
0x7f: {  	_ =	shalt  }
0x80: {  	_ =	shalt  }
0x81: {  	_ =	shalt  }
0x82: {  	_ =	shalt  }
0x83: {  	_ =	shalt  }
0x84: {  	_ =	shalt  }
0x85: {  	_ =	shalt  }
0x86: {  	_ =	shalt  }
0x87: {  	_ =	shalt  }
.Lfunc_end0:
.L_simem_size_0:
called_computation_lowered:
.L_overlay_start_0:
0x88: {  	s2 =	sld [smem:$0x3FD9]  }
0x89: {  	s3 =	sld [smem:$0x3FFE];
	_ =	sdelay $0x1  }
0x8a: {  	s1 =	srdreg.scid  }
0x8b: {  	s0 =	sand.u32 $0x1, s1  }
0x8c: {  	s17 =	sshll.u32 s0, $0xA;
	s2 =	sadd.s32 s3, s2  }
0x8d: {  	s2 =	sadd.s32 s2, s17  }
0x8e: {  	[smem:$0x3FC1] =	sst s2  }
0x8f: {  	_ = 	snop  }
0x90: {  	s2 =	sld [smem:$0x3FC9]  }
0x91: {  	s18 =	sld [smem:$0x3FD0];
	(tm) =	ssettm $0x1  }
0x92: {  	s4 =	sld [smem:$0x3FFB];
	_ =	sdelay $0x3  }
0x93: {  	_ =	strace s4  }
0x94: {  	s4 =	sld [smem:$0x3FFC];
	_ =	sdelay $0x3  }
0x95: {  	_ =	strace s4  }
0x96: {  	s4 =	sld [smem:$0x3FFD];
	_ =	sdelay $0x3  }
0x97: {  	_ =	strace s4  }
0x98: {  	_ =	strace $0x8FFFFFFF  }
0x99: {  	s19 =	sld [smem:$0x3FDB];
	_ =	sdelay $0x1  }
0x9a: {  	s5 =	simm.s32 $_scs_section_size  }
0x9b: {  	s6 =	simm.s32 $_size__tile_overlayer_lowered;
	s7 =	simm.s32 $_tile_overlayer_lowered  }
0x9c: {  	s22 =	simm.s32 $0x1BFF;
	s21 =	sshll.u32 s7, $0x1;
	s4 =	sadd.s32 s5, s19  }
0x9d: {  	s8 =	simm.s32 $0x0;
	s20 =	sshll.u32 s6, $0x1;
	s6 =	sadd.s32 s21, s4  }
0x9e: {  	[timem:s8], [sflag:s22] =	dma.local [hbm:s6], s20  }
0x9f: {  	_ =	swait.ge [sflag:s22], s20  }
0xa0: {  	s5 =	ssub.s32 $0x0, s20;
	[sflag:s22] =	ssyncset.done $0x0  }
0xa1: {  	[sflag:s22] =	ssyncadd.s32 s5;
	_ =	sdelay $0x1  }
0xa2: {  	s23 =	simm.s32 $0x1B8B  }
0xa3: {  	_ =	swait.ge [sflag:s23], $0x1  }
0xa4: {  	[sflag:s23] =	ssyncset.done $0x0  }
0xa5: {  	s25 =	simm.s32 $0x1B8E;
	s24 =	sld [smem:$0x3FFE];
	[sflag:s23] =	ssyncadd.s32 $0xFFFFFFFF  }
0xa6: {  	s26 =	simm.s32 $execute0_lowered;
	[smem:$0x3FD2] =	sst s25  }
0xa7: {  	s6 =	sshll.u32 s26, $0x1;
	_ =	strace $0x80000046;
	[dreg:$0x1] =	wrdreg $0xFFFFFFFF  }
0xa8: {  	s28 =	simm.s32 $_size_execute0_lowered;
	s4 =	sadd.s32 s4, s6;
	[dreg:$0x0] =	wrdreg $0x0  }
0xa9: {  	s6 =	sshll.u32 s28, $0x1;
	[dreg:$0x2] =	wrdreg s4  }
0xaa: {  	[dreg:$0x3] =	wrdreg s6  }
0xab: {  	[dreg:$0x4] =	wrdreg $0xC0  }
0xac: {  	_ =	task [dreg:s8], $0x5FFFF  }
0xad: {  	[dreg:$0x1] =	wrdreg $0xFFFFFFFF  }
0xae: {  	[dreg:$0x0] =	wrdreg $0x60  }
0xaf: {  	[dreg:$0x2] =	wrdreg s2  }
0xb0: {  	[dreg:$0x3] =	wrdreg s18  }
0xb1: {  	[dreg:$0x4] =	wrdreg s24  }
0xb2: {  	[dreg:$0x5] =	wrdreg $0x9  }
0xb3: {  	_ =	task.clear_ibuf [dreg:s8], $0x6FFFF;
	_ =	strace $0x90000046  }
0xb4: {  	s29 =	simm.s32 $0x9;
	_ =	strace $0x80000048  }
0xb5: {  	_ =	swait.ge [sflag:s29], $0x1  }
0xb6: {  	[sflag:s29] =	ssyncadd.s32 $0xFFFFFFFF  }
0xb7: {  	_ =	strace $0x90000048  }
0xb8: {  	_ =	sfence  }
0xb9: {  	s30 =	sld [smem:$0x0];
	_ =	sdelay $0x2  }
0xba: {  	s31 =	sshll.u32 s1, $0xD;
	s1 =	sshrl.u32 s1, $0x2  }
0xbb: {  	s3 =	sand.u32 $0x4000, s31;
	s1 =	sadd.s32 s1, s30  }
0xbc: {  	s0 =	sor.u32 s3, s0;
	s1 =	sshll.u32 s1, $0x11  }
0xbd: {  	s0 =	sor.u32 s1, s0  }
0xbe: {  	s0 =	sadd.s32 $0x8F2B, s0  }
0xbf: {  	[sflag:s0] =	ssyncadd.remote.s32 $0x1  }
0xc0: {  	_ =	sfence.sel $0xFFFF  }
0xc1: {  	[dreg:$0x0] =	wrdreg $0xFFFFFFFF;
	(pc) =	sbr.abs _section_cstart, $3  }
0xc2: {  	[dreg:$0x1] =	wrdreg $0xFFFFFFFF  }
0xc3: {  	_ =	task.clear_ibuf [dreg:s8], $0x2FFFF;
	_ =	strace $0x9FFFFFFF  }
0xc4: {  	(tm) =	ssettm $0x7FFFFFFF  }
0xc5: {  	_ =	shalt  }
tec
execute0_lowered:
.L_overlay_start_1:
0x0: {  	(tag) =	ssettag $0x1  }
0x1: {  	s1 =	srdreg.scid  }
0x2: {  	s3 =	rddreg [dreg:$0x0];
	s0 =	stileid.u32;
	s1 =	sand.u32 $0x1, s1  }
0x3: {  	s4 =	rddreg [dreg:$0x1];
	s2 =	sshll.u32 s0, $0x5;
	s5 =	sshll.u32 s1, $0x4  }
0x4: {  	s6 =	rddreg [dreg:$0x2];
	s5 =	sor.u32 s5, s2;
	s2 =	simm.s32 $0x0  }
0x5: {  	[smem:$0x7FF] =	sst s2;
	s4 =	sadd.s32 s4, s5  }
0x6: {  	s24 =	simm.s32 $0x880;
	_ =	strace $0x80000047;
	[dreg:$0x4] =	wrdreg s4  }
0x7: {  	s25 =	simm.s32 $0x1080;
	[dreg:$0x6] =	wrdreg s24  }
0x8: {  	s26 =	simm.s32 $0x1880;
	[dreg:$0x7] =	wrdreg s25  }
0x9: {  	s0 =	simm.s32 $0x2080;
	[dreg:$0x8] =	wrdreg s26  }
0xa: {  	s7 =	sand.u32 $0xF0, s5;
	s5 =	simm.s32 $0x3080;
	[dreg:$0x9] =	wrdreg s0  }
0xb: {  	s8 =	simm.s32 $0x4080;
	[dreg:$0xb] =	wrdreg s5  }
0xc: {  	s9 =	simm.s32 $0x4880;
	[dreg:$0xd] =	wrdreg s8  }
0xd: {  	s10 =	simm.s32 $0x5080;
	[dreg:$0xe] =	wrdreg s9  }
0xe: {  	s11 =	simm.s32 $0x5880;
	[dreg:$0xf] =	wrdreg s10  }
0xf: {  	s12 =	simm.s32 $0x6080;
	[dreg:$0x10] =	wrdreg s11  }
0x10: {  	s13 =	simm.s32 $0x6880;
	[dreg:$0x11] =	wrdreg s12  }
0x11: {  	s14 =	simm.s32 $0x7080;
	s15 =	simm.s32 $0x7880;
	[dreg:$0x12] =	wrdreg s13  }
0x12: {  	s16 =	simm.s32 $0x8080;
	s17 =	simm.s32 $0x8880;
	[dreg:$0x13] =	wrdreg s14  }
0x13: {  	s18 =	simm.s32 $0x9080;
	s20 =	simm.s32 $0x9880;
	[dreg:$0x14] =	wrdreg s15  }
0x14: {  	s21 =	simm.s32 $0xA080;
	s22 =	simm.s32 $0xA880;
	[dreg:$0x15] =	wrdreg s16  }
0x15: {  	s23 =	simm.s32 $0xB080;
	s28 =	simm.s32 $0x16080;
	[dreg:$0x16] =	wrdreg s17  }
0x16: {  	s29 =	simm.s32 $0x16880;
	s1 =	ssub.s32 $0x2, s1;
	[dreg:$0x17] =	wrdreg s18  }
0x17: {  	s30 =	simm.s32 $0x17080;
	s19 =	sshrl.u32 s1, $0x1;
	[dreg:$0x18] =	wrdreg s20  }
0x18: {  	s31 =	simm.s32 $0x17880;
	s1 =	ssub.s32 s1, s19;
	[dreg:$0x19] =	wrdreg s21  }
0x19: {  	s19 =	simm.s32 $0x12080;
	s7 =	smul.u32 $0x300, s7;
	[dreg:$0x1a] =	wrdreg s22  }
0x1a: {  	s4 =	simm.s32 $0x2880;
	s5 =	sadd.s32 $0x1200, s6;
	[dreg:$0x1b] =	wrdreg s23  }
0x1b: {  	s24 =	simm.s32 $0xB880;
	s25 =	simm.s32 $0xC080;
	s8 =	simm.s32 $0x80  }
0x1c: {  	s26 =	simm.s32 $0xC880;
	s10 =	simm.s32 $0xD880;
	s11 =	simm.s32 $0xE080  }
0x1d: {  	s12 =	simm.s32 $0xE880;
	s13 =	simm.s32 $0xF080;
	s14 =	simm.s32 $0xF880  }
0x1e: {  	s15 =	simm.s32 $0x10080;
	s16 =	simm.s32 $0x10880;
	s17 =	simm.s32 $0x11080  }
0x1f: {  	s18 =	simm.s32 $0x11880;
	s20 =	simm.s32 $0x12880;
	[dreg:$0xa] =	wrdreg s4  }
0x20: {  	s21 =	simm.s32 $0x13080;
	s22 =	simm.s32 $0x13880;
	[dreg:$0x1c] =	wrdreg s24  }
0x21: {  	s23 =	simm.s32 $0x14080;
	s4 =	sadd.s32 $0x1100, s6;
	[dreg:$0x1d] =	wrdreg s25  }
0x22: {  	[dreg:$0x1e] =	wrdreg s26;
	s24 =	simm.s32 $0x14880;
	s3 =	sadd.s32 s3, s7  }
0x23: {  	v2 =	vlaneseq.u32;
	s25 =	simm.s32 $0x15080;
	s7 =	simm.s32 $0x3880;
	[dreg:$0x5] =	wrdreg s3  }
0x24: {  	vm0 =	vmmov $0xffff;
	v1 =	vshrl.u32 v2, $0x3;
	s26 =	simm.s32 $0x15880;
	[dreg:$0xc] =	wrdreg s7;
	s3 =	sadd.s32 $0x1000, s6  }
0x25: {  	v0 =	vand.u32 $0x7, v2;
	v2 =	vor.u32 $0x8, v2;
	v1 =	vmul.u32 $0x8, v1;
	s6 =	smax.u32 s1, $0x1;
	s7 =	simm.s32 $0x2;
	s1 =	simm.s32 $0x1  }
.LBB2_1:
0x26: {  	s0 =	rddreg [dreg:$0x4]  }
0x27: {  	[tilespmem:s2], [sflag:$0x2] =	stream.linear.gather [hbm4b:s0+s2], $0x80, $0x38;
	[tilespmem:$0x18080] =	vst v63  }
0x28: {  	_ =	swait.ge [sflag:s7], $0x80  }
0x29: {  	[sflag:s7] =	ssyncset.done $0x0  }
0x2a: {  	s9 =	rddreg [dreg:$0x5];
	[sflag:s7] =	ssyncadd.s32 $0xFFFFFF80  }
0x2b: {  	[tilespmem:s8], [sflag:$0x2] =	stream.linear.gather [hbm4b:s9+s2], $0x18000, $0x38;
	[tilespmem:$0x18080] =	vst v63  }
0x2c: {  	_ =	swait.ge [sflag:s7], $0x18000  }
0x2d: {  	[sflag:s7] =	ssyncset.done $0x0  }
0x2e: {  	[sflag:s7] =	ssyncadd.s32 $0xFFFE8000  }
0x2f: {  	v3 =	vld [tilespmem:$0x0];
	_ =	sdelay $0x4  }
0x30: {  	v4 =	vshrl.u32 v3, $0x3  }
0x31: {  	v4 =	vmul.u32 $0x30, v4  }
0x32: {  	v3 =	vand.u32 $0x7, v3  }
0x33: {  	v3 =	vor.u32 v3, v4  }
0x34: {  	v4 =	vperm.xlane v3, v0;
	_ =	sdelay $0x1  }
0x35: {  	v4 =	vadd.s32 v1, v4;
	_ =	sdelay $0x3  }
0x36: {  	v3 =	vperm.xlane v3, v2  }
0x37: {  	[hbm4b:s3+s2] =	stream.indirect_vreg.scatter [tilespmem:s8], [sflag:$0x1], $0x80, v4, vm0, $0xb8;
	[tilespmem:$0x18080] =	vst v63  }
0x38: {  	s0 =	rddreg [dreg:$0x6];
	v3 =	vadd.s32 v1, v3  }
0x39: {  	[hbm4b:s4+s2] =	stream.indirect_vreg.scatter [tilespmem:s0], [sflag:$0x1], $0x80, v4, vm0, $0xb8;
	[tilespmem:$0x18080] =	vst v63  }
0x3a: {  	s9 =	rddreg [dreg:$0x7]  }
0x3b: {  	[hbm4b:s5+s2] =	stream.indirect_vreg.scatter [tilespmem:s9], [sflag:$0x1], $0x80, v4, vm0, $0xb8;
	[tilespmem:$0x18080] =	vst v63  }
0x3c: {  	s0 =	rddreg [dreg:$0x8]  }
0x3d: {  	[hbm4b:s3+s2] =	stream.indirect_vreg.scatter [tilespmem:s0], [sflag:$0x1], $0x80, v3, vm0, $0xb8;
	[tilespmem:$0x18080] =	vst v63  }
0x3e: {  	s9 =	rddreg [dreg:$0x9]  }
0x3f: {  	[hbm4b:s4+s2] =	stream.indirect_vreg.scatter [tilespmem:s9], [sflag:$0x1], $0x80, v3, vm0, $0xb8;
	[tilespmem:$0x18080] =	vst v63  }
0x40: {  	s0 =	rddreg [dreg:$0xa]  }
0x41: {  	[hbm4b:s5+s2] =	stream.indirect_vreg.scatter [tilespmem:s0], [sflag:$0x1], $0x80, v3, vm0, $0xb8;
	[tilespmem:$0x18080] =	vst v63  }
0x42: {  	v3 =	vld [tilespmem:$0x10];
	_ =	sdelay $0x4  }
0x43: {  	v57 =	vshrl.u32 v3, $0x3  }
0x44: {  	v4 =	vmul.u32 $0x30, v57  }
0x45: {  	v3 =	vand.u32 $0x7, v3  }
0x46: {  	v3 =	vor.u32 v3, v4  }
0x47: {  	v4 =	vperm.xlane v3, v0;
	_ =	sdelay $0x1  }
0x48: {  	v4 =	vadd.s32 v1, v4;
	_ =	sdelay $0x3  }
0x49: {  	s0 =	rddreg [dreg:$0xb];
	v3 =	vperm.xlane v3, v2  }
0x4a: {  	[hbm4b:s3+s2] =	stream.indirect_vreg.scatter [tilespmem:s0], [sflag:$0x1], $0x80, v4, vm0, $0xb8;
	[tilespmem:$0x18080] =	vst v63  }
0x4b: {  	s9 =	rddreg [dreg:$0xc];
	v3 =	vadd.s32 v1, v3  }
0x4c: {  	[hbm4b:s4+s2] =	stream.indirect_vreg.scatter [tilespmem:s9], [sflag:$0x1], $0x80, v4, vm0, $0xb8;
	[tilespmem:$0x18080] =	vst v63  }
0x4d: {  	s0 =	rddreg [dreg:$0xd]  }
0x4e: {  	[hbm4b:s5+s2] =	stream.indirect_vreg.scatter [tilespmem:s0], [sflag:$0x1], $0x80, v4, vm0, $0xb8;
	[tilespmem:$0x18080] =	vst v63  }
0x4f: {  	s9 =	rddreg [dreg:$0xe]  }
0x50: {  	[hbm4b:s3+s2] =	stream.indirect_vreg.scatter [tilespmem:s9], [sflag:$0x1], $0x80, v3, vm0, $0xb8;
	[tilespmem:$0x18080] =	vst v63  }
0x51: {  	s0 =	rddreg [dreg:$0xf]  }
0x52: {  	[hbm4b:s4+s2] =	stream.indirect_vreg.scatter [tilespmem:s0], [sflag:$0x1], $0x80, v3, vm0, $0xb8;
	[tilespmem:$0x18080] =	vst v63  }
0x53: {  	s9 =	rddreg [dreg:$0x10]  }
0x54: {  	[hbm4b:s5+s2] =	stream.indirect_vreg.scatter [tilespmem:s9], [sflag:$0x1], $0x80, v3, vm0, $0xb8;
	[tilespmem:$0x18080] =	vst v63  }
0x55: {  	v3 =	vld [tilespmem:$0x20];
	_ =	sdelay $0x4  }
0x56: {  	v58 =	vshrl.u32 v3, $0x3  }
0x57: {  	v4 =	vmul.u32 $0x30, v58  }
0x58: {  	v3 =	vand.u32 $0x7, v3  }
0x59: {  	v3 =	vor.u32 v3, v4  }
0x5a: {  	v4 =	vperm.xlane v3, v0;
	_ =	sdelay $0x1  }
0x5b: {  	v4 =	vadd.s32 v1, v4;
	_ =	sdelay $0x3  }
0x5c: {  	s0 =	rddreg [dreg:$0x11];
	v3 =	vperm.xlane v3, v2  }
0x5d: {  	[hbm4b:s3+s2] =	stream.indirect_vreg.scatter [tilespmem:s0], [sflag:$0x1], $0x80, v4, vm0, $0xb8;
	[tilespmem:$0x18080] =	vst v63  }
0x5e: {  	s9 =	rddreg [dreg:$0x12];
	v3 =	vadd.s32 v1, v3  }
0x5f: {  	[hbm4b:s4+s2] =	stream.indirect_vreg.scatter [tilespmem:s9], [sflag:$0x1], $0x80, v4, vm0, $0xb8;
	[tilespmem:$0x18080] =	vst v63  }
0x60: {  	s0 =	rddreg [dreg:$0x13]  }
0x61: {  	[hbm4b:s5+s2] =	stream.indirect_vreg.scatter [tilespmem:s0], [sflag:$0x1], $0x80, v4, vm0, $0xb8;
	[tilespmem:$0x18080] =	vst v63  }
0x62: {  	s9 =	rddreg [dreg:$0x14]  }
0x63: {  	[hbm4b:s3+s2] =	stream.indirect_vreg.scatter [tilespmem:s9], [sflag:$0x1], $0x80, v3, vm0, $0xb8;
	[tilespmem:$0x18080] =	vst v63  }
0x64: {  	s0 =	rddreg [dreg:$0x15]  }
0x65: {  	[hbm4b:s4+s2] =	stream.indirect_vreg.scatter [tilespmem:s0], [sflag:$0x1], $0x80, v3, vm0, $0xb8;
	[tilespmem:$0x18080] =	vst v63  }
0x66: {  	s9 =	rddreg [dreg:$0x16]  }
0x67: {  	[hbm4b:s5+s2] =	stream.indirect_vreg.scatter [tilespmem:s9], [sflag:$0x1], $0x80, v3, vm0, $0xb8;
	[tilespmem:$0x18080] =	vst v63  }
0x68: {  	v3 =	vld [tilespmem:$0x30];
	_ =	sdelay $0x4  }
0x69: {  	v59 =	vshrl.u32 v3, $0x3  }
0x6a: {  	v4 =	vmul.u32 $0x30, v59  }
0x6b: {  	v3 =	vand.u32 $0x7, v3  }
0x6c: {  	v3 =	vor.u32 v3, v4  }
0x6d: {  	v4 =	vperm.xlane v3, v0;
	_ =	sdelay $0x1  }
0x6e: {  	v4 =	vadd.s32 v1, v4;
	_ =	sdelay $0x3  }
0x6f: {  	s0 =	rddreg [dreg:$0x17];
	v3 =	vperm.xlane v3, v2  }
0x70: {  	[hbm4b:s3+s2] =	stream.indirect_vreg.scatter [tilespmem:s0], [sflag:$0x1], $0x80, v4, vm0, $0xb8;
	[tilespmem:$0x18080] =	vst v63  }
0x71: {  	s9 =	rddreg [dreg:$0x18];
	v3 =	vadd.s32 v1, v3  }
0x72: {  	[hbm4b:s4+s2] =	stream.indirect_vreg.scatter [tilespmem:s9], [sflag:$0x1], $0x80, v4, vm0, $0xb8;
	[tilespmem:$0x18080] =	vst v63  }
0x73: {  	s0 =	rddreg [dreg:$0x19]  }
0x74: {  	[hbm4b:s5+s2] =	stream.indirect_vreg.scatter [tilespmem:s0], [sflag:$0x1], $0x80, v4, vm0, $0xb8;
	[tilespmem:$0x18080] =	vst v63  }
0x75: {  	s9 =	rddreg [dreg:$0x1a]  }
0x76: {  	[hbm4b:s3+s2] =	stream.indirect_vreg.scatter [tilespmem:s9], [sflag:$0x1], $0x80, v3, vm0, $0xb8;
	[tilespmem:$0x18080] =	vst v63  }
0x77: {  	s0 =	rddreg [dreg:$0x1b]  }
0x78: {  	[hbm4b:s4+s2] =	stream.indirect_vreg.scatter [tilespmem:s0], [sflag:$0x1], $0x80, v3, vm0, $0xb8;
	[tilespmem:$0x18080] =	vst v63  }
0x79: {  	s9 =	rddreg [dreg:$0x1c]  }
0x7a: {  	[hbm4b:s5+s2] =	stream.indirect_vreg.scatter [tilespmem:s9], [sflag:$0x1], $0x80, v3, vm0, $0xb8;
	[tilespmem:$0x18080] =	vst v63  }
0x7b: {  	v3 =	vld [tilespmem:$0x40];
	_ =	sdelay $0x4  }
0x7c: {  	v60 =	vshrl.u32 v3, $0x3  }
0x7d: {  	v4 =	vmul.u32 $0x30, v60  }
0x7e: {  	v3 =	vand.u32 $0x7, v3  }
0x7f: {  	v3 =	vor.u32 v3, v4  }
0x80: {  	v4 =	vperm.xlane v3, v0;
	_ =	sdelay $0x1  }
0x81: {  	v4 =	vadd.s32 v1, v4;
	_ =	sdelay $0x3  }
0x82: {  	s0 =	rddreg [dreg:$0x1d];
	v3 =	vperm.xlane v3, v2  }
0x83: {  	[hbm4b:s3+s2] =	stream.indirect_vreg.scatter [tilespmem:s0], [sflag:$0x1], $0x80, v4, vm0, $0xb8;
	[tilespmem:$0x18080] =	vst v63  }
0x84: {  	s9 =	rddreg [dreg:$0x1e];
	v3 =	vadd.s32 v1, v3  }
0x85: {  	[hbm4b:s4+s2] =	stream.indirect_vreg.scatter [tilespmem:s9], [sflag:$0x1], $0x80, v4, vm0, $0xb8;
	[tilespmem:$0x18080] =	vst v63  }
0x86: {  	s9 =	simm.s32 $0xD080  }
0x87: {  	[hbm4b:s5+s2] =	stream.indirect_vreg.scatter [tilespmem:s9], [sflag:$0x1], $0x80, v4, vm0, $0xb8;
	[tilespmem:$0x18080] =	vst v63  }
0x88: {  	_ = 	snop  }
0x89: {  	[hbm4b:s3+s2] =	stream.indirect_vreg.scatter [tilespmem:s10], [sflag:$0x1], $0x80, v3, vm0, $0xb8;
	[tilespmem:$0x18080] =	vst v63  }
0x8a: {  	_ = 	snop  }
0x8b: {  	[hbm4b:s4+s2] =	stream.indirect_vreg.scatter [tilespmem:s11], [sflag:$0x1], $0x80, v3, vm0, $0xb8;
	[tilespmem:$0x18080] =	vst v63  }
0x8c: {  	_ = 	snop  }
0x8d: {  	[hbm4b:s5+s2] =	stream.indirect_vreg.scatter [tilespmem:s12], [sflag:$0x1], $0x80, v3, vm0, $0xb8;
	[tilespmem:$0x18080] =	vst v63  }
0x8e: {  	v3 =	vld [tilespmem:$0x50];
	_ =	sdelay $0x4  }
0x8f: {  	v61 =	vshrl.u32 v3, $0x3  }
0x90: {  	v4 =	vmul.u32 $0x30, v61  }
0x91: {  	v3 =	vand.u32 $0x7, v3  }
0x92: {  	v3 =	vor.u32 v3, v4  }
0x93: {  	v4 =	vperm.xlane v3, v0;
	_ =	sdelay $0x1  }
0x94: {  	v4 =	vadd.s32 v1, v4;
	_ =	sdelay $0x3  }
0x95: {  	v3 =	vperm.xlane v3, v2  }
0x96: {  	[hbm4b:s3+s2] =	stream.indirect_vreg.scatter [tilespmem:s13], [sflag:$0x1], $0x80, v4, vm0, $0xb8;
	[tilespmem:$0x18080] =	vst v63  }
0x97: {  	v3 =	vadd.s32 v1, v3  }
0x98: {  	[hbm4b:s4+s2] =	stream.indirect_vreg.scatter [tilespmem:s14], [sflag:$0x1], $0x80, v4, vm0, $0xb8;
	[tilespmem:$0x18080] =	vst v63  }
0x99: {  	_ = 	snop  }
0x9a: {  	[hbm4b:s5+s2] =	stream.indirect_vreg.scatter [tilespmem:s15], [sflag:$0x1], $0x80, v4, vm0, $0xb8;
	[tilespmem:$0x18080] =	vst v63  }
0x9b: {  	_ = 	snop  }
0x9c: {  	[hbm4b:s3+s2] =	stream.indirect_vreg.scatter [tilespmem:s16], [sflag:$0x1], $0x80, v3, vm0, $0xb8;
	[tilespmem:$0x18080] =	vst v63  }
0x9d: {  	_ = 	snop  }
0x9e: {  	[hbm4b:s4+s2] =	stream.indirect_vreg.scatter [tilespmem:s17], [sflag:$0x1], $0x80, v3, vm0, $0xb8;
	[tilespmem:$0x18080] =	vst v63  }
0x9f: {  	_ = 	snop  }
0xa0: {  	[hbm4b:s5+s2] =	stream.indirect_vreg.scatter [tilespmem:s18], [sflag:$0x1], $0x80, v3, vm0, $0xb8;
	[tilespmem:$0x18080] =	vst v63  }
0xa1: {  	v3 =	vld [tilespmem:$0x60];
	_ =	sdelay $0x4  }
0xa2: {  	v62 =	vshrl.u32 v3, $0x3  }
0xa3: {  	v4 =	vmul.u32 $0x30, v62  }
0xa4: {  	v3 =	vand.u32 $0x7, v3  }
0xa5: {  	v3 =	vor.u32 v3, v4  }
0xa6: {  	v4 =	vperm.xlane v3, v0;
	_ =	sdelay $0x1  }
0xa7: {  	v4 =	vadd.s32 v1, v4;
	_ =	sdelay $0x3  }
0xa8: {  	v3 =	vperm.xlane v3, v2  }
0xa9: {  	[hbm4b:s3+s2] =	stream.indirect_vreg.scatter [tilespmem:s19], [sflag:$0x1], $0x80, v4, vm0, $0xb8;
	[tilespmem:$0x18080] =	vst v63  }
0xaa: {  	v3 =	vadd.s32 v1, v3  }
0xab: {  	[hbm4b:s4+s2] =	stream.indirect_vreg.scatter [tilespmem:s20], [sflag:$0x1], $0x80, v4, vm0, $0xb8;
	[tilespmem:$0x18080] =	vst v63  }
0xac: {  	_ = 	snop  }
0xad: {  	[hbm4b:s5+s2] =	stream.indirect_vreg.scatter [tilespmem:s21], [sflag:$0x1], $0x80, v4, vm0, $0xb8;
	[tilespmem:$0x18080] =	vst v63  }
0xae: {  	_ = 	snop  }
0xaf: {  	[hbm4b:s3+s2] =	stream.indirect_vreg.scatter [tilespmem:s22], [sflag:$0x1], $0x80, v3, vm0, $0xb8;
	[tilespmem:$0x18080] =	vst v63  }
0xb0: {  	_ = 	snop  }
0xb1: {  	[hbm4b:s4+s2] =	stream.indirect_vreg.scatter [tilespmem:s23], [sflag:$0x1], $0x80, v3, vm0, $0xb8;
	[tilespmem:$0x18080] =	vst v63  }
0xb2: {  	_ = 	snop  }
0xb3: {  	[hbm4b:s5+s2] =	stream.indirect_vreg.scatter [tilespmem:s24], [sflag:$0x1], $0x80, v3, vm0, $0xb8;
	[tilespmem:$0x18080] =	vst v63  }
0xb4: {  	v3 =	vld [tilespmem:$0x70];
	_ =	sdelay $0x4  }
0xb5: {  	v63 =	vshrl.u32 v3, $0x3  }
0xb6: {  	v4 =	vmul.u32 $0x30, v63  }
0xb7: {  	v3 =	vand.u32 $0x7, v3  }
0xb8: {  	v3 =	vor.u32 v3, v4  }
0xb9: {  	v4 =	vperm.xlane v3, v0;
	_ =	sdelay $0x1  }
0xba: {  	v4 =	vadd.s32 v1, v4;
	_ =	sdelay $0x3  }
0xbb: {  	v3 =	vperm.xlane v3, v2  }
0xbc: {  	[hbm4b:s3+s2] =	stream.indirect_vreg.scatter [tilespmem:s25], [sflag:$0x1], $0x80, v4, vm0, $0xb8;
	[tilespmem:$0x18080] =	vst v63  }
0xbd: {  	v3 =	vadd.s32 v1, v3  }
0xbe: {  	[hbm4b:s4+s2] =	stream.indirect_vreg.scatter [tilespmem:s26], [sflag:$0x1], $0x80, v4, vm0, $0xb8;
	[tilespmem:$0x18080] =	vst v63  }
0xbf: {  	_ = 	snop  }
0xc0: {  	[hbm4b:s5+s2] =	stream.indirect_vreg.scatter [tilespmem:s28], [sflag:$0x1], $0x80, v4, vm0, $0xb8;
	[tilespmem:$0x18080] =	vst v63  }
0xc1: {  	_ = 	snop  }
0xc2: {  	[hbm4b:s3+s2] =	stream.indirect_vreg.scatter [tilespmem:s29], [sflag:$0x1], $0x80, v3, vm0, $0xb8;
	[tilespmem:$0x18080] =	vst v63  }
0xc3: {  	p0 =	sne.s32 s6, $0x1  }
0xc4: {  	[hbm4b:s4+s2] =	stream.indirect_vreg.scatter [tilespmem:s30], [sflag:$0x1], $0x80, v3, vm0, $0xb8;
	[tilespmem:$0x18080] =	vst v63  }
.Ltmp0:
0xc5: {  	_ = 	snop;
	(pc) =	sbr.rel @p0 .LBB2_1-.Ltmp0, $4  }
0xc6: {  	[hbm4b:s5+s2] =	stream.indirect_vreg.scatter [tilespmem:s31], [sflag:$0x1], $0x80, v3, vm0, $0xb8;
	[tilespmem:$0x18080] =	vst v63  }
0xc7: {  	_ =	swait.ge [sflag:s1], $0x18000  }
0xc8: {  	[sflag:s1] =	ssyncset.done $0x0  }
0xc9: {  	s6 =	sadd.s32 $0xFFFFFFFF, s6;
	[sflag:s1] =	ssyncadd.s32 $0xFFFE8000  }
0xca: {  	_ =	sfence.sel $0x180000  }
0xcb: {  	[bflag:$0x0] =	sbarrier.arrive $0xFFFF  }
0xcc: {  	_ =	strace $0x90000047  }
0xcd: {  	s0 =	stileid.u32;
	[bflag:$0x2] =	sbarrier.arrive $0xFFFF  }
0xce: {  	p0 =	sne.s32 s0, $0x0;
	s0 =	rddreg [dreg:$0x3]  }
0xcf: {  	s0 =	sadd.s32 @!p0 $0x100000, s0  }
0xd0: {  	[sflag:s0] =	ssyncadd.tile.s32 @!p0 $0x1;
	_ =	shalt  }
.Lfunc_end2:
_tile_overlayer_lowered:
.L_overlay_start_2:
0xd1: {  	(tag) =	ssettag $0x2  }
0xd2: {  	s0 =	rddreg [dreg:$0x0];
	s2 =	stileid.u32  }
0xd3: {  	s1 =	rddreg [dreg:$0x1];
	p0 =	sne.s32 s2, $0x0  }
0xd4: {  	s3 =	rddreg [dreg:$0x2];
	[bflag:$0x3] =	sbarrier.arrive $0xFFFF;
	s2 =	simm.s32 @!p0 $0x1C02  }
0xd5: {  	[timem:s3], [sflag:s2] =	dma.local @!p0 [hbm:s0], s1  }
0xd6: {  	s0 =	simm.s32 @!p0 $0x2  }
0xd7: {  	_ =	swait.ge @!p0 [sflag:s0], s1  }
0xd8: {  	s1 =	ssub.s32 @!p0 $0x0, s1;
	[sflag:s0] =	ssyncset.done @!p0 $0x0  }
0xd9: {  	[sflag:s0] =	ssyncadd.s32 @!p0 s1  }
0xda: {  	[bflag:$0x3] =	sbarrier.arrive $0xFFFF  }
0xdb: {  	_ =	shalt  }

</sc_bundles>
